<compile_context>
chip_gen: v7x
topology: tpu7x:2x2x1
jax: 0.10.2.dev20260603
libtpu: 0.0.44.dev20260713+nightly
codegen_flags: <defaults>
</compile_context>

<pallas_src>
import jax
import jax.numpy as jnp
import numpy as np
from jax.experimental import pallas as pl
from jax.experimental.pallas import tpu as pltpu
from jax.experimental.pallas import tpu_sc as plsc


def _a_kern(xf_ref, wt_ref, qkv_ref):
    qkv_ref[...] = jnp.dot(xf_ref[...], wt_ref[...],
                           preferred_element_type=jnp.float32)


def _run_a(xf, qkv_wt):
    return pl.pallas_call(
        _a_kern,
        out_shape=jax.ShapeDtypeStruct((4096, 768), jnp.float32),
    )(xf, qkv_wt)


def _s_kern(s_ref, u_ref, l_ref, idx_ref):
    sb = jax.lax.bitcast_convert_type(s_ref[...], jnp.int32)

    def step(_, carry):
        lo, hi = carry
        mid = lo + (hi - lo + 1) // 2
        cnt = jnp.sum((sb >= mid).astype(jnp.int32))
        return jnp.where(cnt >= 512, mid, lo), jnp.where(cnt >= 512, hi, mid - 1)

    T, _ = jax.lax.fori_loop(0, 31, step, (jnp.int32(0), jnp.int32(2**30 + 2**29)))

    U = u_ref[...]
    L = l_ref[...]

    def prefix_incl(x01):
        rp = jnp.dot(x01, U, preferred_element_type=jnp.float32,
                     precision=jax.lax.Precision.HIGHEST)
        bo = jnp.dot(L, rp[:, 127:128], preferred_element_type=jnp.float32,
                     precision=jax.lax.Precision.HIGHEST)
        return rp + bo

    gt01 = jnp.where(sb > T, 1.0, 0.0)
    eq01 = jnp.where(sb == T, 1.0, 0.0)
    quota = 512.0 - jnp.sum(gt01)
    pe = prefix_incl(eq01)
    sel01 = gt01 + jnp.where(pe <= quota, eq01, 0.0)
    ps = prefix_incl(sel01)
    rank = ps - sel01
    rank = jnp.where(sel01 > 0.5, rank, 512.0)

    r_col = jax.lax.broadcasted_iota(jnp.int32, (512, 1), 0).astype(jnp.float32)
    acc = jnp.zeros((512, 1), jnp.float32)
    for row in range(32):
        ind = jnp.where(rank[row:row + 1, :] == r_col, 1.0, 0.0)
        n_col = jax.lax.broadcasted_iota(jnp.int32, (128, 1), 0).astype(jnp.float32) + (row * 128.0)
        acc = acc + jnp.dot(ind, n_col, preferred_element_type=jnp.float32,
                            precision=jax.lax.Precision.HIGHEST)
    idx_ref[...] = acc.astype(jnp.int32)


def _run_s(scores2d, U, L):
    return pl.pallas_call(
        _s_kern,
        out_shape=jax.ShapeDtypeStruct((512, 1), jnp.int32),
    )(scores2d, U, L)


def _sc_body(idx_hbm, kv_hbm, out_hbm, idx_v, kv_buf):
    c = jax.lax.axis_index("c")
    s = jax.lax.axis_index("s")

    @pl.when((c == 0) & (s == 0))
    def _():
        pltpu.sync_copy(idx_hbm, idx_v)
        for j in range(4):
            pltpu.sync_copy(kv_hbm.at[idx_v.at[pl.ds(j * 128, 128)]], kv_buf)
            pltpu.sync_copy(kv_buf, out_hbm.at[pl.ds(j * 128, 128), :])


def _run_sc(idx, kv):
    f = pl.kernel(
        _sc_body,
        out_type=jax.ShapeDtypeStruct((512, 512), jnp.float32),
        mesh=plsc.VectorSubcoreMesh(core_axis_name="c", subcore_axis_name="s"),
        scratch_types=[
            pltpu.VMEM((512,), jnp.int32),
            pltpu.VMEM((128, 512), jnp.float32),
        ],
    )
    return f(idx, kv)


def _c_kern(q_ref, k_ref, v_ref, o_ref):
    q = q_ref[0]
    k = k_ref[0]
    v = v_ref[0]
    s = jax.lax.dot_general(q, k, (((1,), (1,)), ((), ())),
                            preferred_element_type=jnp.float32)
    s = s * (8.0 ** -0.5)
    mx = jnp.max(s, axis=1, keepdims=True)
    e = jnp.exp(s - mx)
    a = e / jnp.sum(e, axis=1, keepdims=True)
    o_ref[0] = jnp.dot(a, v, preferred_element_type=jnp.float32)


def _run_c(qh, kh, vh):
    return pl.pallas_call(
        _c_kern,
        grid=(32,),
        in_specs=[
            pl.BlockSpec((1, 4096, 8), lambda h: (h, 0, 0)),
            pl.BlockSpec((1, 512, 8), lambda h: (h, 0, 0)),
            pl.BlockSpec((1, 512, 8), lambda h: (h, 0, 0)),
        ],
        out_specs=pl.BlockSpec((1, 4096, 8), lambda h: (h, 0, 0)),
        out_shape=jax.ShapeDtypeStruct((32, 4096, 8), jnp.float32),
    )(qh, kh, vh)


def _d_kern(vp_ref, w_ref, b_ref, out_ref):
    acc = jnp.zeros((16, 16, 16, 256), jnp.float32)
    for dz in range(3):
        for dy in range(3):
            for dx in range(3):
                i = dz * 9 + dy * 3 + dx
                acc = acc + vp_ref[dz:dz + 16, dy:dy + 16, dx:dx + 16, :] * w_ref[i]
    out_ref[...] = acc + b_ref[0]


def _run_d(vpad, w27, b):
    return pl.pallas_call(
        _d_kern,
        out_shape=jax.ShapeDtypeStruct((16, 16, 16, 256), jnp.float32),
    )(vpad, w27, b)


def _e_kern(att_ref, dw_ref, pw_ref, cw_ref, b_ref, out_ref):
    out = jnp.dot(att_ref[...], pw_ref[...], preferred_element_type=jnp.float32)
    out = out + jnp.dot(dw_ref[...], cw_ref[...], preferred_element_type=jnp.float32)
    out_ref[...] = out + b_ref[0]


def _run_e(att, dwout, proj_wt, dw2_wt, bias):
    return pl.pallas_call(
        _e_kern,
        out_shape=jax.ShapeDtypeStruct((4096, 256), jnp.float32),
    )(att, dwout, proj_wt, dw2_wt, bias)


def kernel(x, spa_w, qkv_w, proj_w, proj_b, dw1_w, dw1_b, dw2_w, dw2_b):
    B, C, D, H, W = x.shape
    N = D * H * W

    avg_out = jnp.mean(x, axis=1, keepdims=True)
    max_out = jnp.max(x, axis=1, keepdims=True)
    sa = jax.lax.conv_general_dilated(
        jnp.concatenate([avg_out, max_out], axis=1), spa_w,
        window_strides=(1, 1, 1), padding=[(3, 3)] * 3,
        dimension_numbers=('NCDHW', 'OIDHW', 'NCDHW'))
    scores = jax.nn.sigmoid(sa).reshape(N)

    xf = x.reshape(C, N).T
    qkv = _run_a(xf, qkv_w.T)

    U = jnp.asarray(np.triu(np.ones((128, 128), np.float32)))
    L = jnp.asarray(np.tril(np.ones((32, 32), np.float32), -1))
    idx = _run_s(scores.reshape(32, 128), U, L)

    kv = qkv[:, C:]
    kv_g = _run_sc(idx.reshape(512), kv)

    q = qkv[:, :C]
    qh = q.reshape(N, 32, 8).transpose(1, 0, 2)
    kh = kv_g[:, :C].reshape(512, 32, 8).transpose(1, 0, 2)
    vh = kv_g[:, C:].reshape(512, 32, 8).transpose(1, 0, 2)

    oh = _run_c(qh, kh, vh)
    att = oh.transpose(1, 0, 2).reshape(N, C)

    v_full = qkv[:, 2 * C:]
    vpad = jnp.pad(v_full.reshape(D, H, W, C), ((1, 1), (1, 1), (1, 1), (0, 0)))
    w27 = dw1_w.reshape(C, 27).T
    dwout = _run_d(vpad, w27, dw1_b.reshape(1, C)).reshape(N, C)

    bias = (proj_b + dw2_b).reshape(1, C)
    out = _run_e(att, dwout, proj_w.T, dw2_w.reshape(C, C).T, bias)
    return out.T.reshape(B, C, D, H, W)

# --- scband reference (transcript-rebuilt; emitter-appended) ---
"""Pipeline reference for scband-pbi-attention-82085414961223 (READ-ONLY COPY).

The authoritative reference and input builder live on the scoring server;
editing this copy changes nothing except your own understanding.
"""

import jax, jax.numpy as jnp
import numpy as np


def conv3d(x, w, b=None, padding=0, groups=1):
    out = jax.lax.conv_general_dilated(
        x, w, window_strides=(1, 1, 1),
        padding=[(padding, padding)] * 3,
        feature_group_count=groups,
        dimension_numbers=('NCDHW', 'OIDHW', 'NCDHW'))
    if b is not None:
        out = out + b[None, :, None, None, None]
    return out


def setup_inputs(seed: int = 0) -> dict:
    key = jax.random.key(seed)
    ks = jax.random.split(key, 10)
    B, C, D, H, W = 1, 256, 16, 16, 16
    x = jax.random.normal(ks[0], (B, C, D, H, W), dtype=jnp.float32)
    spa_w = jax.random.normal(ks[1], (1, 2, 7, 7, 7), dtype=jnp.float32) * 0.05
    qkv_w = jax.random.normal(ks[2], (3 * C, C), dtype=jnp.float32) * (1.0 / np.sqrt(C))
    proj_w = jax.random.normal(ks[3], (C, C), dtype=jnp.float32) * (1.0 / np.sqrt(C))
    proj_b = jnp.zeros((C,), dtype=jnp.float32)
    dw1_w = jax.random.normal(ks[4], (C, 1, 3, 3, 3), dtype=jnp.float32) * 0.1
    dw1_b = jnp.zeros((C,), dtype=jnp.float32)
    dw2_w = jax.random.normal(ks[5], (C, C, 1, 1, 1), dtype=jnp.float32) * (1.0 / np.sqrt(C))
    dw2_b = jnp.zeros((C,), dtype=jnp.float32)
    return {"x": x, "spa_w": spa_w, "qkv_w": qkv_w, "proj_w": proj_w,
            "proj_b": proj_b, "dw1_w": dw1_w, "dw1_b": dw1_b,
            "dw2_w": dw2_w, "dw2_b": dw2_b}


def reference(x, spa_w, qkv_w, proj_w, proj_b, dw1_w, dw1_b, dw2_w, dw2_b):
    num_head = 32
    k_sel = 512
    B, C, Ws, Wh, Ww = x.shape
    head_dim = C // num_head
    scale = head_dim ** (-0.5)
    N = Ws * Wh * Ww
    # SpatialAttention
    avg_out = jnp.mean(x, axis=1, keepdims=True)
    max_out = jnp.max(x, axis=1, keepdims=True)
    sa = conv3d(jnp.concatenate([avg_out, max_out], axis=1), spa_w, padding=3)
    sa = jax.nn.sigmoid(sa)  # [B,1,D,H,W]
    x_spa = sa.reshape(B, 1, N).transpose(0, 2, 1)  # [B,N,1]
    top, idx = jax.lax.top_k(x_spa[:, :, 0], k_sel)  # [B,k]
    xf = x.reshape(B, C, N).transpose(0, 2, 1)  # [B,N,C]
    qkv = xf @ qkv_w.T  # [B,N,3C]
    qkv = qkv.reshape(B, N, 3, C).transpose(2, 0, 1, 3)
    q, kk, v = qkv[0], qkv[1], qkv[2]
    q = q.reshape(B, N, num_head, head_dim).transpose(0, 2, 1, 3)
    k_g = jnp.take_along_axis(kk, idx[:, :, None], axis=1)
    k_g = k_g.reshape(B, k_sel, num_head, head_dim).transpose(0, 2, 1, 3)
    v_g = jnp.take_along_axis(v, idx[:, :, None], axis=1)
    v_g = v_g.reshape(B, k_sel, num_head, head_dim).transpose(0, 2, 1, 3)
    attn = (q @ k_g.transpose(0, 1, 3, 2)) * scale  # [B,H,N,k]
    attn = jax.nn.softmax(attn, axis=-1)
    out = (attn @ v_g).transpose(0, 2, 1, 3).reshape(B, N, C)
    out = out @ proj_w.T + proj_b
    out = out.transpose(0, 2, 1).reshape(B, C, Ws, Wh, Ww)
    vres = v.transpose(0, 2, 1).reshape(B, C, Ws, Wh, Ww)
    vres = conv3d(vres, dw1_w, dw1_b, padding=1, groups=C)
    vres = conv3d(vres, dw2_w, dw2_b, padding=0)
    return out + vres

if __name__ == "__main__":
    import jax
    _d = setup_inputs()
    print(jax.jit(kernel)(*tuple(_d.values())))

</pallas_src>

<mosaic_0001>
#map = affine_map<(d0, d1) -> (0)>
#map1 = affine_map<(d0, d1) -> (0, 0)>
module attributes {stable_mosaic.version = 14 : i64} {
  func.func @_sc_body(%arg0: i32, %arg1: i32, %arg2: memref<512xi32, #tpu.memory_space<hbm>>, %arg3: memref<4096x512xf32, #tpu.memory_space<hbm>>, %arg4: memref<512x512xf32, #tpu.memory_space<hbm>>, %arg5: memref<512xi32, #tpu.memory_space<vmem>>, %arg6: memref<128x512xf32, #tpu.memory_space<vmem>>) attributes {dimension_semantics = [#tpu.dimension_semantics<core_parallel>, #tpu.dimension_semantics<subcore_parallel>], iteration_bounds = array<i64: 2, 16>, scalar_prefetch = 0 : i64, scratch_operands = 2 : i64, tpu.core_type = #tpu.core_type<sc_vector_subcore>, window_params = [{transform_indices = #map}, {transform_indices = #map1}, {transform_indices = #map1}]} {
    %eq3A = arith.constant 0 : i32
    %eq3A_0 = arith.cmpi eq, %arg0, %eq3A : i32
    %eq3A_1 = arith.constant 0 : i32
    %eq3A_2 = arith.cmpi eq, %arg1, %eq3A_1 : i32
    %and3A = arith.andi %eq3A_0, %eq3A_2 : i1
    %convert_element_type3A = arith.extui %and3A : i1 to i32
    %cond3A = arith.constant 0 : i32
    %cond3A_3 = arith.cmpi ne, %convert_element_type3A, %cond3A : i32
    scf.if %cond3A_3 {
      "tpu.region"() ({
        %run_scoped3A = tpu.sem_alloc : memref<!tpu.dma_semaphore, #tpu.memory_space<semaphore_mem>>
        tpu.enqueue_dma source(%arg2 : memref<512xi32, #tpu.memory_space<hbm>>) target(%arg5 : memref<512xi32, #tpu.memory_space<vmem>>) target_semaphore(%run_scoped3A : memref<!tpu.dma_semaphore, #tpu.memory_space<semaphore_mem>>)
        tpu.wait_dma2 semaphore(%run_scoped3A : memref<!tpu.dma_semaphore, #tpu.memory_space<semaphore_mem>>) src(%arg2 : memref<512xi32, #tpu.memory_space<hbm>>) dst(%arg5 : memref<512xi32, #tpu.memory_space<vmem>>)
        tpu.yield
      }) : () -> ()
      "tpu.region"() ({
        %run_scoped3A = tpu.sem_alloc : memref<!tpu.dma_semaphore, #tpu.memory_space<semaphore_mem>>
        %dma_start3A = arith.constant 0 : i32
        %dma_start3A_4 = tpu.memref_slice %arg5[%dma_start3A] : memref<512xi32, #tpu.memory_space<vmem>> -> memref<128xi32, #tpu.memory_space<vmem>>
        %dma_start3A_5 = arith.constant 0 : i32
        %dma_start3A_6 = arith.constant 0 : i32
        %dma_start3A_7 = tpu.memref_slice %arg3[%dma_start3A_5, %dma_start3A_6] : memref<4096x512xf32, #tpu.memory_space<hbm>> -> memref<4096x512xf32, #tpu.memory_space<hbm>>
        tpu.enqueue_indirect_dma source(%dma_start3A_7 : memref<4096x512xf32, #tpu.memory_space<hbm>>) target(%arg6 : memref<128x512xf32, #tpu.memory_space<vmem>>) offsets(%dma_start3A_4 : memref<128xi32, #tpu.memory_space<vmem>>) semaphore(%run_scoped3A : memref<!tpu.dma_semaphore, #tpu.memory_space<semaphore_mem>>)
        %dma_wait3A = arith.constant 0 : i32
        %dma_wait3A_8 = tpu.memref_slice %arg5[%dma_wait3A] : memref<512xi32, #tpu.memory_space<vmem>> -> memref<128xi32, #tpu.memory_space<vmem>>
        %dma_wait3A_9 = arith.constant 0 : i32
        %dma_wait3A_10 = arith.constant 0 : i32
        %dma_wait3A_11 = tpu.memref_slice %arg3[%dma_wait3A_9, %dma_wait3A_10] : memref<4096x512xf32, #tpu.memory_space<hbm>> -> memref<4096x512xf32, #tpu.memory_space<hbm>>
        tpu.wait_indirect_dma semaphore(%run_scoped3A : memref<!tpu.dma_semaphore, #tpu.memory_space<semaphore_mem>>) src(%dma_wait3A_11 : memref<4096x512xf32, #tpu.memory_space<hbm>>) dst(%arg6 : memref<128x512xf32, #tpu.memory_space<vmem>>)
        tpu.yield
      }) : () -> ()
      "tpu.region"() ({
        %run_scoped3A = tpu.sem_alloc : memref<!tpu.dma_semaphore, #tpu.memory_space<semaphore_mem>>
        %dma_start3A = arith.constant 0 : i32
        %dma_start3A_4 = arith.constant 0 : i32
        %dma_start3A_5 = tpu.memref_slice %arg4[%dma_start3A, %dma_start3A_4] : memref<512x512xf32, #tpu.memory_space<hbm>> -> memref<128x512xf32, #tpu.memory_space<hbm>>
        %dma_start3A_6 = arith.constant 0 : i32
        %dma_start3A_7 = arith.constant 0 : i32
        %dma_start3A_8 = tpu.memref_slice %arg4[%dma_start3A_6, %dma_start3A_7] : memref<512x512xf32, #tpu.memory_space<hbm>> -> memref<128x512xf32, #tpu.memory_space<hbm>>
        tpu.enqueue_dma source(%arg6 : memref<128x512xf32, #tpu.memory_space<vmem>>) target(%dma_start3A_8 : memref<128x512xf32, #tpu.memory_space<hbm>>) target_semaphore(%run_scoped3A : memref<!tpu.dma_semaphore, #tpu.memory_space<semaphore_mem>>)
        %dma_wait3A = arith.constant 0 : i32
        %dma_wait3A_9 = arith.constant 0 : i32
        %dma_wait3A_10 = tpu.memref_slice %arg4[%dma_wait3A, %dma_wait3A_9] : memref<512x512xf32, #tpu.memory_space<hbm>> -> memref<128x512xf32, #tpu.memory_space<hbm>>
        %dma_wait3A_11 = arith.constant 0 : i32
        %dma_wait3A_12 = arith.constant 0 : i32
        %dma_wait3A_13 = tpu.memref_slice %arg4[%dma_wait3A_11, %dma_wait3A_12] : memref<512x512xf32, #tpu.memory_space<hbm>> -> memref<128x512xf32, #tpu.memory_space<hbm>>
        tpu.wait_dma2 semaphore(%run_scoped3A : memref<!tpu.dma_semaphore, #tpu.memory_space<semaphore_mem>>) src(%arg6 : memref<128x512xf32, #tpu.memory_space<vmem>>) dst(%dma_wait3A_13 : memref<128x512xf32, #tpu.memory_space<hbm>>)
        tpu.yield
      }) : () -> ()
      "tpu.region"() ({
        %run_scoped3A = tpu.sem_alloc : memref<!tpu.dma_semaphore, #tpu.memory_space<semaphore_mem>>
        %dma_start3A = arith.constant 128 : i32
        %dma_start3A_4 = tpu.memref_slice %arg5[%dma_start3A] : memref<512xi32, #tpu.memory_space<vmem>> -> memref<128xi32, #tpu.memory_space<vmem>>
        %dma_start3A_5 = arith.constant 0 : i32
        %dma_start3A_6 = arith.constant 0 : i32
        %dma_start3A_7 = tpu.memref_slice %arg3[%dma_start3A_5, %dma_start3A_6] : memref<4096x512xf32, #tpu.memory_space<hbm>> -> memref<4096x512xf32, #tpu.memory_space<hbm>>
        tpu.enqueue_indirect_dma source(%dma_start3A_7 : memref<4096x512xf32, #tpu.memory_space<hbm>>) target(%arg6 : memref<128x512xf32, #tpu.memory_space<vmem>>) offsets(%dma_start3A_4 : memref<128xi32, #tpu.memory_space<vmem>>) semaphore(%run_scoped3A : memref<!tpu.dma_semaphore, #tpu.memory_space<semaphore_mem>>)
        %dma_wait3A = arith.constant 128 : i32
        %dma_wait3A_8 = tpu.memref_slice %arg5[%dma_wait3A] : memref<512xi32, #tpu.memory_space<vmem>> -> memref<128xi32, #tpu.memory_space<vmem>>
        %dma_wait3A_9 = arith.constant 0 : i32
        %dma_wait3A_10 = arith.constant 0 : i32
        %dma_wait3A_11 = tpu.memref_slice %arg3[%dma_wait3A_9, %dma_wait3A_10] : memref<4096x512xf32, #tpu.memory_space<hbm>> -> memref<4096x512xf32, #tpu.memory_space<hbm>>
        tpu.wait_indirect_dma semaphore(%run_scoped3A : memref<!tpu.dma_semaphore, #tpu.memory_space<semaphore_mem>>) src(%dma_wait3A_11 : memref<4096x512xf32, #tpu.memory_space<hbm>>) dst(%arg6 : memref<128x512xf32, #tpu.memory_space<vmem>>)
        tpu.yield
      }) : () -> ()
      "tpu.region"() ({
        %run_scoped3A = tpu.sem_alloc : memref<!tpu.dma_semaphore, #tpu.memory_space<semaphore_mem>>
        %dma_start3A = arith.constant 128 : i32
        %dma_start3A_4 = arith.constant 0 : i32
        %dma_start3A_5 = tpu.memref_slice %arg4[%dma_start3A, %dma_start3A_4] : memref<512x512xf32, #tpu.memory_space<hbm>> -> memref<128x512xf32, #tpu.memory_space<hbm>>
        %dma_start3A_6 = arith.constant 128 : i32
        %dma_start3A_7 = arith.constant 0 : i32
        %dma_start3A_8 = tpu.memref_slice %arg4[%dma_start3A_6, %dma_start3A_7] : memref<512x512xf32, #tpu.memory_space<hbm>> -> memref<128x512xf32, #tpu.memory_space<hbm>>
        tpu.enqueue_dma source(%arg6 : memref<128x512xf32, #tpu.memory_space<vmem>>) target(%dma_start3A_8 : memref<128x512xf32, #tpu.memory_space<hbm>>) target_semaphore(%run_scoped3A : memref<!tpu.dma_semaphore, #tpu.memory_space<semaphore_mem>>)
        %dma_wait3A = arith.constant 128 : i32
        %dma_wait3A_9 = arith.constant 0 : i32
        %dma_wait3A_10 = tpu.memref_slice %arg4[%dma_wait3A, %dma_wait3A_9] : memref<512x512xf32, #tpu.memory_space<hbm>> -> memref<128x512xf32, #tpu.memory_space<hbm>>
        %dma_wait3A_11 = arith.constant 128 : i32
        %dma_wait3A_12 = arith.constant 0 : i32
        %dma_wait3A_13 = tpu.memref_slice %arg4[%dma_wait3A_11, %dma_wait3A_12] : memref<512x512xf32, #tpu.memory_space<hbm>> -> memref<128x512xf32, #tpu.memory_space<hbm>>
        tpu.wait_dma2 semaphore(%run_scoped3A : memref<!tpu.dma_semaphore, #tpu.memory_space<semaphore_mem>>) src(%arg6 : memref<128x512xf32, #tpu.memory_space<vmem>>) dst(%dma_wait3A_13 : memref<128x512xf32, #tpu.memory_space<hbm>>)
        tpu.yield
      }) : () -> ()
      "tpu.region"() ({
        %run_scoped3A = tpu.sem_alloc : memref<!tpu.dma_semaphore, #tpu.memory_space<semaphore_mem>>
        %dma_start3A = arith.constant 256 : i32
        %dma_start3A_4 = tpu.memref_slice %arg5[%dma_start3A] : memref<512xi32, #tpu.memory_space<vmem>> -> memref<128xi32, #tpu.memory_space<vmem>>
        %dma_start3A_5 = arith.constant 0 : i32
        %dma_start3A_6 = arith.constant 0 : i32
        %dma_start3A_7 = tpu.memref_slice %arg3[%dma_start3A_5, %dma_start3A_6] : memref<4096x512xf32, #tpu.memory_space<hbm>> -> memref<4096x512xf32, #tpu.memory_space<hbm>>
        tpu.enqueue_indirect_dma source(%dma_start3A_7 : memref<4096x512xf32, #tpu.memory_space<hbm>>) target(%arg6 : memref<128x512xf32, #tpu.memory_space<vmem>>) offsets(%dma_start3A_4 : memref<128xi32, #tpu.memory_space<vmem>>) semaphore(%run_scoped3A : memref<!tpu.dma_semaphore, #tpu.memory_space<semaphore_mem>>)
        %dma_wait3A = arith.constant 256 : i32
        %dma_wait3A_8 = tpu.memref_slice %arg5[%dma_wait3A] : memref<512xi32, #tpu.memory_space<vmem>> -> memref<128xi32, #tpu.memory_space<vmem>>
        %dma_wait3A_9 = arith.constant 0 : i32
        %dma_wait3A_10 = arith.constant 0 : i32
        %dma_wait3A_11 = tpu.memref_slice %arg3[%dma_wait3A_9, %dma_wait3A_10] : memref<4096x512xf32, #tpu.memory_space<hbm>> -> memref<4096x512xf32, #tpu.memory_space<hbm>>
        tpu.wait_indirect_dma semaphore(%run_scoped3A : memref<!tpu.dma_semaphore, #tpu.memory_space<semaphore_mem>>) src(%dma_wait3A_11 : memref<4096x512xf32, #tpu.memory_space<hbm>>) dst(%arg6 : memref<128x512xf32, #tpu.memory_space<vmem>>)
        tpu.yield
      }) : () -> ()
      "tpu.region"() ({
        %run_scoped3A = tpu.sem_alloc : memref<!tpu.dma_semaphore, #tpu.memory_space<semaphore_mem>>
        %dma_start3A = arith.constant 256 : i32
        %dma_start3A_4 = arith.constant 0 : i32
        %dma_start3A_5 = tpu.memref_slice %arg4[%dma_start3A, %dma_start3A_4] : memref<512x512xf32, #tpu.memory_space<hbm>> -> memref<128x512xf32, #tpu.memory_space<hbm>>
        %dma_start3A_6 = arith.constant 256 : i32
        %dma_start3A_7 = arith.constant 0 : i32
        %dma_start3A_8 = tpu.memref_slice %arg4[%dma_start3A_6, %dma_start3A_7] : memref<512x512xf32, #tpu.memory_space<hbm>> -> memref<128x512xf32, #tpu.memory_space<hbm>>
        tpu.enqueue_dma source(%arg6 : memref<128x512xf32, #tpu.memory_space<vmem>>) target(%dma_start3A_8 : memref<128x512xf32, #tpu.memory_space<hbm>>) target_semaphore(%run_scoped3A : memref<!tpu.dma_semaphore, #tpu.memory_space<semaphore_mem>>)
        %dma_wait3A = arith.constant 256 : i32
        %dma_wait3A_9 = arith.constant 0 : i32
        %dma_wait3A_10 = tpu.memref_slice %arg4[%dma_wait3A, %dma_wait3A_9] : memref<512x512xf32, #tpu.memory_space<hbm>> -> memref<128x512xf32, #tpu.memory_space<hbm>>
        %dma_wait3A_11 = arith.constant 256 : i32
        %dma_wait3A_12 = arith.constant 0 : i32
        %dma_wait3A_13 = tpu.memref_slice %arg4[%dma_wait3A_11, %dma_wait3A_12] : memref<512x512xf32, #tpu.memory_space<hbm>> -> memref<128x512xf32, #tpu.memory_space<hbm>>
        tpu.wait_dma2 semaphore(%run_scoped3A : memref<!tpu.dma_semaphore, #tpu.memory_space<semaphore_mem>>) src(%arg6 : memref<128x512xf32, #tpu.memory_space<vmem>>) dst(%dma_wait3A_13 : memref<128x512xf32, #tpu.memory_space<hbm>>)
        tpu.yield
      }) : () -> ()
      "tpu.region"() ({
        %run_scoped3A = tpu.sem_alloc : memref<!tpu.dma_semaphore, #tpu.memory_space<semaphore_mem>>
        %dma_start3A = arith.constant 384 : i32
        %dma_start3A_4 = tpu.memref_slice %arg5[%dma_start3A] : memref<512xi32, #tpu.memory_space<vmem>> -> memref<128xi32, #tpu.memory_space<vmem>>
        %dma_start3A_5 = arith.constant 0 : i32
        %dma_start3A_6 = arith.constant 0 : i32
        %dma_start3A_7 = tpu.memref_slice %arg3[%dma_start3A_5, %dma_start3A_6] : memref<4096x512xf32, #tpu.memory_space<hbm>> -> memref<4096x512xf32, #tpu.memory_space<hbm>>
        tpu.enqueue_indirect_dma source(%dma_start3A_7 : memref<4096x512xf32, #tpu.memory_space<hbm>>) target(%arg6 : memref<128x512xf32, #tpu.memory_space<vmem>>) offsets(%dma_start3A_4 : memref<128xi32, #tpu.memory_space<vmem>>) semaphore(%run_scoped3A : memref<!tpu.dma_semaphore, #tpu.memory_space<semaphore_mem>>)
        %dma_wait3A = arith.constant 384 : i32
        %dma_wait3A_8 = tpu.memref_slice %arg5[%dma_wait3A] : memref<512xi32, #tpu.memory_space<vmem>> -> memref<128xi32, #tpu.memory_space<vmem>>
        %dma_wait3A_9 = arith.constant 0 : i32
        %dma_wait3A_10 = arith.constant 0 : i32
        %dma_wait3A_11 = tpu.memref_slice %arg3[%dma_wait3A_9, %dma_wait3A_10] : memref<4096x512xf32, #tpu.memory_space<hbm>> -> memref<4096x512xf32, #tpu.memory_space<hbm>>
        tpu.wait_indirect_dma semaphore(%run_scoped3A : memref<!tpu.dma_semaphore, #tpu.memory_space<semaphore_mem>>) src(%dma_wait3A_11 : memref<4096x512xf32, #tpu.memory_space<hbm>>) dst(%arg6 : memref<128x512xf32, #tpu.memory_space<vmem>>)
        tpu.yield
      }) : () -> ()
      "tpu.region"() ({
        %run_scoped3A = tpu.sem_alloc : memref<!tpu.dma_semaphore, #tpu.memory_space<semaphore_mem>>
        %dma_start3A = arith.constant 384 : i32
        %dma_start3A_4 = arith.constant 0 : i32
        %dma_start3A_5 = tpu.memref_slice %arg4[%dma_start3A, %dma_start3A_4] : memref<512x512xf32, #tpu.memory_space<hbm>> -> memref<128x512xf32, #tpu.memory_space<hbm>>
        %dma_start3A_6 = arith.constant 384 : i32
        %dma_start3A_7 = arith.constant 0 : i32
        %dma_start3A_8 = tpu.memref_slice %arg4[%dma_start3A_6, %dma_start3A_7] : memref<512x512xf32, #tpu.memory_space<hbm>> -> memref<128x512xf32, #tpu.memory_space<hbm>>
        tpu.enqueue_dma source(%arg6 : memref<128x512xf32, #tpu.memory_space<vmem>>) target(%dma_start3A_8 : memref<128x512xf32, #tpu.memory_space<hbm>>) target_semaphore(%run_scoped3A : memref<!tpu.dma_semaphore, #tpu.memory_space<semaphore_mem>>)
        %dma_wait3A = arith.constant 384 : i32
        %dma_wait3A_9 = arith.constant 0 : i32
        %dma_wait3A_10 = tpu.memref_slice %arg4[%dma_wait3A, %dma_wait3A_9] : memref<512x512xf32, #tpu.memory_space<hbm>> -> memref<128x512xf32, #tpu.memory_space<hbm>>
        %dma_wait3A_11 = arith.constant 384 : i32
        %dma_wait3A_12 = arith.constant 0 : i32
        %dma_wait3A_13 = tpu.memref_slice %arg4[%dma_wait3A_11, %dma_wait3A_12] : memref<512x512xf32, #tpu.memory_space<hbm>> -> memref<128x512xf32, #tpu.memory_space<hbm>>
        tpu.wait_dma2 semaphore(%run_scoped3A : memref<!tpu.dma_semaphore, #tpu.memory_space<semaphore_mem>>) src(%arg6 : memref<128x512xf32, #tpu.memory_space<vmem>>) dst(%dma_wait3A_13 : memref<128x512xf32, #tpu.memory_space<hbm>>)
        tpu.yield
      }) : () -> ()
    } else {
    }
    return
  }
}

module attributes {stable_mosaic.version = 14 : i64} {
  func.func @_a_kern(%arg0: memref<4096x256xf32, #tpu.memory_space<vmem>>, %arg1: memref<256x768xf32, #tpu.memory_space<vmem>>, %arg2: memref<4096x768xf32, #tpu.memory_space<vmem>>) attributes {dimension_semantics = [], scalar_prefetch = 0 : i64, scratch_operands = 0 : i64, tpu.core_type = #tpu.core_type<tc>} {
    %get3A = arith.constant 0 : index
    %get3A_0 = arith.constant 0 : index
    %get3A_1 = vector.load %arg0[%get3A, %get3A_0] : memref<4096x256xf32, #tpu.memory_space<vmem>>, vector<4096x256xf32>
    %get3A_2 = arith.constant 0 : index
    %get3A_3 = arith.constant 0 : index
    %get3A_4 = vector.load %arg1[%get3A_2, %get3A_3] : memref<256x768xf32, #tpu.memory_space<vmem>>, vector<256x768xf32>
    %dot_general3A = arith.constant dense<0.000000e+00> : vector<4096x768xf32>
    %dot_general3A_5 = tpu.matmul %get3A_1, %get3A_4, %dot_general3A {dimension_numbers = #tpu.dot_dimension_numbers<[1], [0], [0], [1], [0, 0, 1, 1], [], []>, transpose_lhs_hint = false} : vector<4096x256xf32>, vector<256x768xf32>, vector<4096x768xf32> -> vector<4096x768xf32>
    %swap3A = arith.constant 0 : index
    %swap3A_6 = arith.constant 0 : index
    %swap3A_7 = vector.load %arg2[%swap3A, %swap3A_6] : memref<4096x768xf32, #tpu.memory_space<vmem>>, vector<4096x768xf32>
    tpu.vector_store %arg2[%swap3A, %swap3A_6], %dot_general3A_5 {strides = array<i32>} : memref<4096x768xf32, #tpu.memory_space<vmem>>, vector<4096x768xf32>,
    return
  }
}

module attributes {stable_mosaic.version = 14 : i64} {
  func.func @_s_kern(%arg0: memref<32x128xf32, #tpu.memory_space<vmem>>, %arg1: memref<128x128xf32, #tpu.memory_space<vmem>>, %arg2: memref<32x32xf32, #tpu.memory_space<vmem>>, %arg3: memref<512x1xi32, #tpu.memory_space<vmem>>) attributes {dimension_semantics = [], scalar_prefetch = 0 : i64, scratch_operands = 0 : i64, tpu.core_type = #tpu.core_type<tc>} {
    %get3A = arith.constant 0 : index
    %get3A_0 = arith.constant 0 : index
    %get3A_1 = vector.load %arg0[%get3A, %get3A_0] : memref<32x128xf32, #tpu.memory_space<vmem>>, vector<32x128xf32>
    %bitcast_convert_type3A = tpu.bitcast %get3A_1 : vector<32x128xf32> -> vector<32x128xi32>
    %scan3A = arith.constant 0 : i32
    %scan3A_2 = arith.constant 1610612736 : i32
    %scan3A_3 = arith.constant 0 : i32
    %scan3A_4 = arith.constant 31 : i32
    %scan3A_5 = arith.addi %scan3A_3, %scan3A_4 : i32
    %scan3A_6 = arith.constant 1 : i32
    %scan3A_7:2 = scf.for %scan3A_600 = %scan3A_3 to %scan3A_5 step %scan3A_6 iter_args(%scan3A_601 = %scan3A, %scan3A_602 = %scan3A_2) -> (i32, i32)  : i32 {
      %sub3A_603 = arith.subi %scan3A_602, %scan3A_601 : i32
      %add3A_604 = arith.constant 1 : i32
      %add3A_605 = arith.addi %sub3A_603, %add3A_604 : i32
      %jit3A_606 = arith.constant 2 : i32
      %div3A = arith.divsi %add3A_605, %jit3A_606 : i32
      %sign3A = arith.constant 0 : i32
      %sign3A_607 = arith.cmpi sgt, %add3A_605, %sign3A : i32
      %sign3A_608 = arith.extui %sign3A_607 : i1 to i32
      %sign3A_609 = arith.constant 0 : i32
      %sign3A_610 = arith.cmpi slt, %add3A_605, %sign3A_609 : i32
      %sign3A_611 = arith.extui %sign3A_610 : i1 to i32
      %sign3A_612 = arith.subi %sign3A_608, %sign3A_611 : i32
      %sign3A_613 = arith.constant 0 : i32
      %sign3A_614 = arith.cmpi sgt, %jit3A_606, %sign3A_613 : i32
      %sign3A_615 = arith.extui %sign3A_614 : i1 to i32
      %sign3A_616 = arith.constant 0 : i32
      %sign3A_617 = arith.cmpi slt, %jit3A_606, %sign3A_616 : i32
      %sign3A_618 = arith.extui %sign3A_617 : i1 to i32
      %sign3A_619 = arith.subi %sign3A_615, %sign3A_618 : i32
      %ne3A = arith.cmpi ne, %sign3A_612, %sign3A_619 : i32
      %rem3A = arith.remsi %add3A_605, %jit3A_606 : i32
      %ne3A_620 = arith.constant 0 : i32
      %ne3A_621 = arith.cmpi ne, %rem3A, %ne3A_620 : i32
      %and3A = arith.andi %ne3A, %ne3A_621 : i1
      %sub3A_622 = arith.constant 1 : i32
      %sub3A_623 = arith.subi %div3A, %sub3A_622 : i32
      %select_n3A_624 = arith.select %and3A, %sub3A_623, %div3A : i32
      %add3A_625 = arith.addi %scan3A_601, %select_n3A_624 : i32
      %ge3A = vector.broadcast %add3A_625 : i32 to vector<32x128xi32>
      %ge3A_626 = arith.cmpi sge, %bitcast_convert_type3A, %ge3A : vector<32x128xi32>
      %convert_element_type3A_627 = arith.extui %ge3A_626 : vector<32x128xi1> to vector<32x128xi32>
      %reduce_sum3A_628 = vector.shape_cast %convert_element_type3A_627 : vector<32x128xi32> to vector<1x32x128xi32>
      %reduce_sum3A_629 = arith.constant dense<0> : vector<1xi32>
      %reduce_sum3A_630 = vector.multi_reduction <add>, %reduce_sum3A_628, %reduce_sum3A_629 [1, 2] : vector<1x32x128xi32> to vector<1xi32>
      %reduce_sum3A_631 = vector.shape_cast %reduce_sum3A_630 : vector<1xi32> to vector<1x1x1xi32>
      %reduce_sum3A_632 = vector.extract %reduce_sum3A_631[0, 0, 0] : i32 from vector<1x1x1xi32>
      %ge3A_633 = arith.constant 512 : i32
      %ge3A_634 = arith.cmpi sge, %reduce_sum3A_632, %ge3A_633 : i32
      %select_n3A_635 = arith.select %ge3A_634, %add3A_625, %scan3A_601 : i32
      %ge3A_636 = arith.constant 512 : i32
      %ge3A_637 = arith.cmpi sge, %reduce_sum3A_632, %ge3A_636 : i32
      %sub3A_638 = arith.constant 1 : i32
      %sub3A_639 = arith.subi %add3A_625, %sub3A_638 : i32
      %select_n3A_640 = arith.select %ge3A_637, %scan3A_602, %sub3A_639 : i32
      scf.yield %select_n3A_635, %select_n3A_640 : i32, i32
    }
    %get3A_8 = arith.constant 0 : index
    %get3A_9 = arith.constant 0 : index
    %get3A_10 = vector.load %arg1[%get3A_8, %get3A_9] : memref<128x128xf32, #tpu.memory_space<vmem>>, vector<128x128xf32>
    %get3A_11 = arith.constant 0 : index
    %get3A_12 = arith.constant 0 : index
    %get3A_13 = vector.load %arg2[%get3A_11, %get3A_12] : memref<32x32xf32, #tpu.memory_space<vmem>>, vector<32x32xf32>
    %gt3A = vector.broadcast %scan3A_7#0 : i32 to vector<32x128xi32>
    %gt3A_14 = arith.cmpi sgt, %bitcast_convert_type3A, %gt3A : vector<32x128xi32>
    %jit3A = arith.constant 1.000000e+00 : f32
    %jit3A_15 = arith.constant 0.000000e+00 : f32
    %broadcast_in_dim3A = vector.broadcast %jit3A : f32 to vector<32x128xf32>
    %broadcast_in_dim3A_16 = vector.broadcast %jit3A_15 : f32 to vector<32x128xf32>
    %select_n3A = arith.select %gt3A_14, %broadcast_in_dim3A, %broadcast_in_dim3A_16 : vector<32x128xi1>, vector<32x128xf32>
    %eq3A = vector.broadcast %scan3A_7#0 : i32 to vector<32x128xi32>
    %eq3A_17 = arith.cmpi eq, %bitcast_convert_type3A, %eq3A : vector<32x128xi32>
    %jit3A_18 = arith.constant 1.000000e+00 : f32
    %jit3A_19 = arith.constant 0.000000e+00 : f32
    %broadcast_in_dim3A_20 = vector.broadcast %jit3A_18 : f32 to vector<32x128xf32>
    %broadcast_in_dim3A_21 = vector.broadcast %jit3A_19 : f32 to vector<32x128xf32>
    %select_n3A_22 = arith.select %eq3A_17, %broadcast_in_dim3A_20, %broadcast_in_dim3A_21 : vector<32x128xi1>, vector<32x128xf32>
    %reduce_sum3A = vector.shape_cast %select_n3A : vector<32x128xf32> to vector<1x32x128xf32>
    %reduce_sum3A_23 = arith.constant dense<0.000000e+00> : vector<1xf32>
    %reduce_sum3A_24 = vector.multi_reduction <add>, %reduce_sum3A, %reduce_sum3A_23 [1, 2] : vector<1x32x128xf32> to vector<1xf32>
    %reduce_sum3A_25 = vector.shape_cast %reduce_sum3A_24 : vector<1xf32> to vector<1x1x1xf32>
    %reduce_sum3A_26 = vector.extract %reduce_sum3A_25[0, 0, 0] : f32 from vector<1x1x1xf32>
    %sub3A = arith.constant 5.120000e+02 : f32
    %sub3A_27 = arith.subf %sub3A, %reduce_sum3A_26 : f32
    %dot_general3A = arith.constant dense<0.000000e+00> : vector<32x128xf32>
    %dot_general3A_28 = tpu.matmul %select_n3A_22, %get3A_10, %dot_general3A {dimension_numbers = #tpu.dot_dimension_numbers<[1], [0], [0], [1], [0, 0, 1, 1], [], []>, precision = #tpu.contract_precision<fp32>, transpose_lhs_hint = false} : vector<32x128xf32>, vector<128x128xf32>, vector<32x128xf32> -> vector<32x128xf32>
    %slice3A = vector.extract_strided_slice %dot_general3A_28 {offsets = [0, 127], sizes = [32, 1], strides = [1, 1]} : vector<32x128xf32> to vector<32x1xf32>
    %dot_general3A_29 = arith.constant dense<0.000000e+00> : vector<32x1xf32>
    %dot_general3A_30 = tpu.matmul %get3A_13, %slice3A, %dot_general3A_29 {dimension_numbers = #tpu.dot_dimension_numbers<[1], [0], [0], [1], [0, 0, 1, 1], [], []>, precision = #tpu.contract_precision<fp32>, transpose_lhs_hint = false} : vector<32x32xf32>, vector<32x1xf32>, vector<32x1xf32> -> vector<32x1xf32>
    %add3A = vector.broadcast %dot_general3A_30 : vector<32x1xf32> to vector<32x128xf32>
    %add3A_31 = arith.addf %dot_general3A_28, %add3A : vector<32x128xf32>
    %le3A = vector.broadcast %sub3A_27 : f32 to vector<32x128xf32>
    %le3A_32 = arith.cmpf ole, %add3A_31, %le3A : vector<32x128xf32>
    %jit3A_33 = arith.constant 0.000000e+00 : f32
    %broadcast_in_dim3A_34 = vector.broadcast %jit3A_33 : f32 to vector<32x128xf32>
    %select_n3A_35 = arith.select %le3A_32, %select_n3A_22, %broadcast_in_dim3A_34 : vector<32x128xi1>, vector<32x128xf32>
    %add3A_36 = arith.addf %select_n3A, %select_n3A_35 : vector<32x128xf32>
    %dot_general3A_37 = arith.constant dense<0.000000e+00> : vector<32x128xf32>
    %dot_general3A_38 = tpu.matmul %add3A_36, %get3A_10, %dot_general3A_37 {dimension_numbers = #tpu.dot_dimension_numbers<[1], [0], [0], [1], [0, 0, 1, 1], [], []>, precision = #tpu.contract_precision<fp32>, transpose_lhs_hint = false} : vector<32x128xf32>, vector<128x128xf32>, vector<32x128xf32> -> vector<32x128xf32>
    %slice3A_39 = vector.extract_strided_slice %dot_general3A_38 {offsets = [0, 127], sizes = [32, 1], strides = [1, 1]} : vector<32x128xf32> to vector<32x1xf32>
    %dot_general3A_40 = arith.constant dense<0.000000e+00> : vector<32x1xf32>
    %dot_general3A_41 = tpu.matmul %get3A_13, %slice3A_39, %dot_general3A_40 {dimension_numbers = #tpu.dot_dimension_numbers<[1], [0], [0], [1], [0, 0, 1, 1], [], []>, precision = #tpu.contract_precision<fp32>, transpose_lhs_hint = false} : vector<32x32xf32>, vector<32x1xf32>, vector<32x1xf32> -> vector<32x1xf32>
    %add3A_42 = vector.broadcast %dot_general3A_41 : vector<32x1xf32> to vector<32x128xf32>
    %add3A_43 = arith.addf %dot_general3A_38, %add3A_42 : vector<32x128xf32>
    %sub3A_44 = arith.subf %add3A_43, %add3A_36 : vector<32x128xf32>
    %gt3A_45 = arith.constant 5.000000e-01 : f32
    %gt3A_46 = vector.broadcast %gt3A_45 : f32 to vector<32x128xf32>
    %gt3A_47 = arith.cmpf ogt, %add3A_36, %gt3A_46 : vector<32x128xf32>
    %jit3A_48 = arith.constant 5.120000e+02 : f32
    %broadcast_in_dim3A_49 = vector.broadcast %jit3A_48 : f32 to vector<32x128xf32>
    %select_n3A_50 = arith.select %gt3A_47, %sub3A_44, %broadcast_in_dim3A_49 : vector<32x128xi1>, vector<32x128xf32>
    %iota3A = tpu.iota {dimensions = array<i32: 0>} : vector<512x1xi32>
    %convert_element_type3A = arith.sitofp %iota3A : vector<512x1xi32> to vector<512x1xf32>
    %broadcast_in_dim3A_51 = arith.constant 0.000000e+00 : f32
    %broadcast_in_dim3A_52 = vector.broadcast %broadcast_in_dim3A_51 : f32 to vector<512x1xf32>
    %slice3A_53 = vector.extract_strided_slice %select_n3A_50 {offsets = [0, 0], sizes = [1, 128], strides = [1, 1]} : vector<32x128xf32> to vector<1x128xf32>
    %eq3A_54 = vector.broadcast %slice3A_53 : vector<1x128xf32> to vector<512x128xf32>
    %eq3A_55 = vector.broadcast %convert_element_type3A : vector<512x1xf32> to vector<512x128xf32>
    %eq3A_56 = arith.cmpf oeq, %eq3A_54, %eq3A_55 : vector<512x128xf32>
    %jit3A_57 = arith.constant 1.000000e+00 : f32
    %jit3A_58 = arith.constant 0.000000e+00 : f32
    %broadcast_in_dim3A_59 = vector.broadcast %jit3A_57 : f32 to vector<512x128xf32>
    %broadcast_in_dim3A_60 = vector.broadcast %jit3A_58 : f32 to vector<512x128xf32>
    %select_n3A_61 = arith.select %eq3A_56, %broadcast_in_dim3A_59, %broadcast_in_dim3A_60 : vector<512x128xi1>, vector<512x128xf32>
    %iota3A_62 = tpu.iota {dimensions = array<i32: 0>} : vector<128x1xi32>
    %convert_element_type3A_63 = arith.sitofp %iota3A_62 : vector<128x1xi32> to vector<128x1xf32>
    %add3A_64 = arith.constant 0.000000e+00 : f32
    %add3A_65 = vector.broadcast %add3A_64 : f32 to vector<128x1xf32>
    %add3A_66 = arith.addf %convert_element_type3A_63, %add3A_65 : vector<128x1xf32>
    %dot_general3A_67 = arith.constant dense<0.000000e+00> : vector<512x1xf32>
    %dot_general3A_68 = tpu.matmul %select_n3A_61, %add3A_66, %dot_general3A_67 {dimension_numbers = #tpu.dot_dimension_numbers<[1], [0], [0], [1], [0, 0, 1, 1], [], []>, precision = #tpu.contract_precision<fp32>, transpose_lhs_hint = false} : vector<512x128xf32>, vector<128x1xf32>, vector<512x1xf32> -> vector<512x1xf32>
    %add3A_69 = arith.addf %broadcast_in_dim3A_52, %dot_general3A_68 : vector<512x1xf32>
    %slice3A_70 = vector.extract_strided_slice %select_n3A_50 {offsets = [1, 0], sizes = [1, 128], strides = [1, 1]} : vector<32x128xf32> to vector<1x128xf32>
    %eq3A_71 = vector.broadcast %slice3A_70 : vector<1x128xf32> to vector<512x128xf32>
    %eq3A_72 = vector.broadcast %convert_element_type3A : vector<512x1xf32> to vector<512x128xf32>
    %eq3A_73 = arith.cmpf oeq, %eq3A_71, %eq3A_72 : vector<512x128xf32>
    %jit3A_74 = arith.constant 1.000000e+00 : f32
    %jit3A_75 = arith.constant 0.000000e+00 : f32
    %broadcast_in_dim3A_76 = vector.broadcast %jit3A_74 : f32 to vector<512x128xf32>
    %broadcast_in_dim3A_77 = vector.broadcast %jit3A_75 : f32 to vector<512x128xf32>
    %select_n3A_78 = arith.select %eq3A_73, %broadcast_in_dim3A_76, %broadcast_in_dim3A_77 : vector<512x128xi1>, vector<512x128xf32>
    %iota3A_79 = tpu.iota {dimensions = array<i32: 0>} : vector<128x1xi32>
    %convert_element_type3A_80 = arith.sitofp %iota3A_79 : vector<128x1xi32> to vector<128x1xf32>
    %add3A_81 = arith.constant 1.280000e+02 : f32
    %add3A_82 = vector.broadcast %add3A_81 : f32 to vector<128x1xf32>
    %add3A_83 = arith.addf %convert_element_type3A_80, %add3A_82 : vector<128x1xf32>
    %dot_general3A_84 = arith.constant dense<0.000000e+00> : vector<512x1xf32>
    %dot_general3A_85 = tpu.matmul %select_n3A_78, %add3A_83, %dot_general3A_84 {dimension_numbers = #tpu.dot_dimension_numbers<[1], [0], [0], [1], [0, 0, 1, 1], [], []>, precision = #tpu.contract_precision<fp32>, transpose_lhs_hint = false} : vector<512x128xf32>, vector<128x1xf32>, vector<512x1xf32> -> vector<512x1xf32>
    %add3A_86 = arith.addf %add3A_69, %dot_general3A_85 : vector<512x1xf32>
    %slice3A_87 = vector.extract_strided_slice %select_n3A_50 {offsets = [2, 0], sizes = [1, 128], strides = [1, 1]} : vector<32x128xf32> to vector<1x128xf32>
    %eq3A_88 = vector.broadcast %slice3A_87 : vector<1x128xf32> to vector<512x128xf32>
    %eq3A_89 = vector.broadcast %convert_element_type3A : vector<512x1xf32> to vector<512x128xf32>
    %eq3A_90 = arith.cmpf oeq, %eq3A_88, %eq3A_89 : vector<512x128xf32>
    %jit3A_91 = arith.constant 1.000000e+00 : f32
    %jit3A_92 = arith.constant 0.000000e+00 : f32
    %broadcast_in_dim3A_93 = vector.broadcast %jit3A_91 : f32 to vector<512x128xf32>
    %broadcast_in_dim3A_94 = vector.broadcast %jit3A_92 : f32 to vector<512x128xf32>
    %select_n3A_95 = arith.select %eq3A_90, %broadcast_in_dim3A_93, %broadcast_in_dim3A_94 : vector<512x128xi1>, vector<512x128xf32>
    %iota3A_96 = tpu.iota {dimensions = array<i32: 0>} : vector<128x1xi32>
    %convert_element_type3A_97 = arith.sitofp %iota3A_96 : vector<128x1xi32> to vector<128x1xf32>
    %add3A_98 = arith.constant 2.560000e+02 : f32
    %add3A_99 = vector.broadcast %add3A_98 : f32 to vector<128x1xf32>
    %add3A_100 = arith.addf %convert_element_type3A_97, %add3A_99 : vector<128x1xf32>
    %dot_general3A_101 = arith.constant dense<0.000000e+00> : vector<512x1xf32>
    %dot_general3A_102 = tpu.matmul %select_n3A_95, %add3A_100, %dot_general3A_101 {dimension_numbers = #tpu.dot_dimension_numbers<[1], [0], [0], [1], [0, 0, 1, 1], [], []>, precision = #tpu.contract_precision<fp32>, transpose_lhs_hint = false} : vector<512x128xf32>, vector<128x1xf32>, vector<512x1xf32> -> vector<512x1xf32>
    %add3A_103 = arith.addf %add3A_86, %dot_general3A_102 : vector<512x1xf32>
    %slice3A_104 = vector.extract_strided_slice %select_n3A_50 {offsets = [3, 0], sizes = [1, 128], strides = [1, 1]} : vector<32x128xf32> to vector<1x128xf32>
    %eq3A_105 = vector.broadcast %slice3A_104 : vector<1x128xf32> to vector<512x128xf32>
    %eq3A_106 = vector.broadcast %convert_element_type3A : vector<512x1xf32> to vector<512x128xf32>
    %eq3A_107 = arith.cmpf oeq, %eq3A_105, %eq3A_106 : vector<512x128xf32>
    %jit3A_108 = arith.constant 1.000000e+00 : f32
    %jit3A_109 = arith.constant 0.000000e+00 : f32
    %broadcast_in_dim3A_110 = vector.broadcast %jit3A_108 : f32 to vector<512x128xf32>
    %broadcast_in_dim3A_111 = vector.broadcast %jit3A_109 : f32 to vector<512x128xf32>
    %select_n3A_112 = arith.select %eq3A_107, %broadcast_in_dim3A_110, %broadcast_in_dim3A_111 : vector<512x128xi1>, vector<512x128xf32>
    %iota3A_113 = tpu.iota {dimensions = array<i32: 0>} : vector<128x1xi32>
    %convert_element_type3A_114 = arith.sitofp %iota3A_113 : vector<128x1xi32> to vector<128x1xf32>
    %add3A_115 = arith.constant 3.840000e+02 : f32
    %add3A_116 = vector.broadcast %add3A_115 : f32 to vector<128x1xf32>
    %add3A_117 = arith.addf %convert_element_type3A_114, %add3A_116 : vector<128x1xf32>
    %dot_general3A_118 = arith.constant dense<0.000000e+00> : vector<512x1xf32>
    %dot_general3A_119 = tpu.matmul %select_n3A_112, %add3A_117, %dot_general3A_118 {dimension_numbers = #tpu.dot_dimension_numbers<[1], [0], [0], [1], [0, 0, 1, 1], [], []>, precision = #tpu.contract_precision<fp32>, transpose_lhs_hint = false} : vector<512x128xf32>, vector<128x1xf32>, vector<512x1xf32> -> vector<512x1xf32>
    %add3A_120 = arith.addf %add3A_103, %dot_general3A_119 : vector<512x1xf32>
    %slice3A_121 = vector.extract_strided_slice %select_n3A_50 {offsets = [4, 0], sizes = [1, 128], strides = [1, 1]} : vector<32x128xf32> to vector<1x128xf32>
    %eq3A_122 = vector.broadcast %slice3A_121 : vector<1x128xf32> to vector<512x128xf32>
    %eq3A_123 = vector.broadcast %convert_element_type3A : vector<512x1xf32> to vector<512x128xf32>
    %eq3A_124 = arith.cmpf oeq, %eq3A_122, %eq3A_123 : vector<512x128xf32>
    %jit3A_125 = arith.constant 1.000000e+00 : f32
    %jit3A_126 = arith.constant 0.000000e+00 : f32
    %broadcast_in_dim3A_127 = vector.broadcast %jit3A_125 : f32 to vector<512x128xf32>
    %broadcast_in_dim3A_128 = vector.broadcast %jit3A_126 : f32 to vector<512x128xf32>
    %select_n3A_129 = arith.select %eq3A_124, %broadcast_in_dim3A_127, %broadcast_in_dim3A_128 : vector<512x128xi1>, vector<512x128xf32>
    %iota3A_130 = tpu.iota {dimensions = array<i32: 0>} : vector<128x1xi32>
    %convert_element_type3A_131 = arith.sitofp %iota3A_130 : vector<128x1xi32> to vector<128x1xf32>
    %add3A_132 = arith.constant 5.120000e+02 : f32
    %add3A_133 = vector.broadcast %add3A_132 : f32 to vector<128x1xf32>
    %add3A_134 = arith.addf %convert_element_type3A_131, %add3A_133 : vector<128x1xf32>
    %dot_general3A_135 = arith.constant dense<0.000000e+00> : vector<512x1xf32>
    %dot_general3A_136 = tpu.matmul %select_n3A_129, %add3A_134, %dot_general3A_135 {dimension_numbers = #tpu.dot_dimension_numbers<[1], [0], [0], [1], [0, 0, 1, 1], [], []>, precision = #tpu.contract_precision<fp32>, transpose_lhs_hint = false} : vector<512x128xf32>, vector<128x1xf32>, vector<512x1xf32> -> vector<512x1xf32>
    %add3A_137 = arith.addf %add3A_120, %dot_general3A_136 : vector<512x1xf32>
    %slice3A_138 = vector.extract_strided_slice %select_n3A_50 {offsets = [5, 0], sizes = [1, 128], strides = [1, 1]} : vector<32x128xf32> to vector<1x128xf32>
    %eq3A_139 = vector.broadcast %slice3A_138 : vector<1x128xf32> to vector<512x128xf32>
    %eq3A_140 = vector.broadcast %convert_element_type3A : vector<512x1xf32> to vector<512x128xf32>
    %eq3A_141 = arith.cmpf oeq, %eq3A_139, %eq3A_140 : vector<512x128xf32>
    %jit3A_142 = arith.constant 1.000000e+00 : f32
    %jit3A_143 = arith.constant 0.000000e+00 : f32
    %broadcast_in_dim3A_144 = vector.broadcast %jit3A_142 : f32 to vector<512x128xf32>
    %broadcast_in_dim3A_145 = vector.broadcast %jit3A_143 : f32 to vector<512x128xf32>
    %select_n3A_146 = arith.select %eq3A_141, %broadcast_in_dim3A_144, %broadcast_in_dim3A_145 : vector<512x128xi1>, vector<512x128xf32>
    %iota3A_147 = tpu.iota {dimensions = array<i32: 0>} : vector<128x1xi32>
    %convert_element_type3A_148 = arith.sitofp %iota3A_147 : vector<128x1xi32> to vector<128x1xf32>
    %add3A_149 = arith.constant 6.400000e+02 : f32
    %add3A_150 = vector.broadcast %add3A_149 : f32 to vector<128x1xf32>
    %add3A_151 = arith.addf %convert_element_type3A_148, %add3A_150 : vector<128x1xf32>
    %dot_general3A_152 = arith.constant dense<0.000000e+00> : vector<512x1xf32>
    %dot_general3A_153 = tpu.matmul %select_n3A_146, %add3A_151, %dot_general3A_152 {dimension_numbers = #tpu.dot_dimension_numbers<[1], [0], [0], [1], [0, 0, 1, 1], [], []>, precision = #tpu.contract_precision<fp32>, transpose_lhs_hint = false} : vector<512x128xf32>, vector<128x1xf32>, vector<512x1xf32> -> vector<512x1xf32>
    %add3A_154 = arith.addf %add3A_137, %dot_general3A_153 : vector<512x1xf32>
    %slice3A_155 = vector.extract_strided_slice %select_n3A_50 {offsets = [6, 0], sizes = [1, 128], strides = [1, 1]} : vector<32x128xf32> to vector<1x128xf32>
    %eq3A_156 = vector.broadcast %slice3A_155 : vector<1x128xf32> to vector<512x128xf32>
    %eq3A_157 = vector.broadcast %convert_element_type3A : vector<512x1xf32> to vector<512x128xf32>
    %eq3A_158 = arith.cmpf oeq, %eq3A_156, %eq3A_157 : vector<512x128xf32>
    %jit3A_159 = arith.constant 1.000000e+00 : f32
    %jit3A_160 = arith.constant 0.000000e+00 : f32
    %broadcast_in_dim3A_161 = vector.broadcast %jit3A_159 : f32 to vector<512x128xf32>
    %broadcast_in_dim3A_162 = vector.broadcast %jit3A_160 : f32 to vector<512x128xf32>
    %select_n3A_163 = arith.select %eq3A_158, %broadcast_in_dim3A_161, %broadcast_in_dim3A_162 : vector<512x128xi1>, vector<512x128xf32>
    %iota3A_164 = tpu.iota {dimensions = array<i32: 0>} : vector<128x1xi32>
    %convert_element_type3A_165 = arith.sitofp %iota3A_164 : vector<128x1xi32> to vector<128x1xf32>
    %add3A_166 = arith.constant 7.680000e+02 : f32
    %add3A_167 = vector.broadcast %add3A_166 : f32 to vector<128x1xf32>
    %add3A_168 = arith.addf %convert_element_type3A_165, %add3A_167 : vector<128x1xf32>
    %dot_general3A_169 = arith.constant dense<0.000000e+00> : vector<512x1xf32>
    %dot_general3A_170 = tpu.matmul %select_n3A_163, %add3A_168, %dot_general3A_169 {dimension_numbers = #tpu.dot_dimension_numbers<[1], [0], [0], [1], [0, 0, 1, 1], [], []>, precision = #tpu.contract_precision<fp32>, transpose_lhs_hint = false} : vector<512x128xf32>, vector<128x1xf32>, vector<512x1xf32> -> vector<512x1xf32>
    %add3A_171 = arith.addf %add3A_154, %dot_general3A_170 : vector<512x1xf32>
    %slice3A_172 = vector.extract_strided_slice %select_n3A_50 {offsets = [7, 0], sizes = [1, 128], strides = [1, 1]} : vector<32x128xf32> to vector<1x128xf32>
    %eq3A_173 = vector.broadcast %slice3A_172 : vector<1x128xf32> to vector<512x128xf32>
    %eq3A_174 = vector.broadcast %convert_element_type3A : vector<512x1xf32> to vector<512x128xf32>
    %eq3A_175 = arith.cmpf oeq, %eq3A_173, %eq3A_174 : vector<512x128xf32>
    %jit3A_176 = arith.constant 1.000000e+00 : f32
    %jit3A_177 = arith.constant 0.000000e+00 : f32
    %broadcast_in_dim3A_178 = vector.broadcast %jit3A_176 : f32 to vector<512x128xf32>
    %broadcast_in_dim3A_179 = vector.broadcast %jit3A_177 : f32 to vector<512x128xf32>
    %select_n3A_180 = arith.select %eq3A_175, %broadcast_in_dim3A_178, %broadcast_in_dim3A_179 : vector<512x128xi1>, vector<512x128xf32>
    %iota3A_181 = tpu.iota {dimensions = array<i32: 0>} : vector<128x1xi32>
    %convert_element_type3A_182 = arith.sitofp %iota3A_181 : vector<128x1xi32> to vector<128x1xf32>
    %add3A_183 = arith.constant 8.960000e+02 : f32
    %add3A_184 = vector.broadcast %add3A_183 : f32 to vector<128x1xf32>
    %add3A_185 = arith.addf %convert_element_type3A_182, %add3A_184 : vector<128x1xf32>
    %dot_general3A_186 = arith.constant dense<0.000000e+00> : vector<512x1xf32>
    %dot_general3A_187 = tpu.matmul %select_n3A_180, %add3A_185, %dot_general3A_186 {dimension_numbers = #tpu.dot_dimension_numbers<[1], [0], [0], [1], [0, 0, 1, 1], [], []>, precision = #tpu.contract_precision<fp32>, transpose_lhs_hint = false} : vector<512x128xf32>, vector<128x1xf32>, vector<512x1xf32> -> vector<512x1xf32>
    %add3A_188 = arith.addf %add3A_171, %dot_general3A_187 : vector<512x1xf32>
    %slice3A_189 = vector.extract_strided_slice %select_n3A_50 {offsets = [8, 0], sizes = [1, 128], strides = [1, 1]} : vector<32x128xf32> to vector<1x128xf32>
    %eq3A_190 = vector.broadcast %slice3A_189 : vector<1x128xf32> to vector<512x128xf32>
    %eq3A_191 = vector.broadcast %convert_element_type3A : vector<512x1xf32> to vector<512x128xf32>
    %eq3A_192 = arith.cmpf oeq, %eq3A_190, %eq3A_191 : vector<512x128xf32>
    %jit3A_193 = arith.constant 1.000000e+00 : f32
    %jit3A_194 = arith.constant 0.000000e+00 : f32
    %broadcast_in_dim3A_195 = vector.broadcast %jit3A_193 : f32 to vector<512x128xf32>
    %broadcast_in_dim3A_196 = vector.broadcast %jit3A_194 : f32 to vector<512x128xf32>
    %select_n3A_197 = arith.select %eq3A_192, %broadcast_in_dim3A_195, %broadcast_in_dim3A_196 : vector<512x128xi1>, vector<512x128xf32>
    %iota3A_198 = tpu.iota {dimensions = array<i32: 0>} : vector<128x1xi32>
    %convert_element_type3A_199 = arith.sitofp %iota3A_198 : vector<128x1xi32> to vector<128x1xf32>
    %add3A_200 = arith.constant 1.024000e+03 : f32
    %add3A_201 = vector.broadcast %add3A_200 : f32 to vector<128x1xf32>
    %add3A_202 = arith.addf %convert_element_type3A_199, %add3A_201 : vector<128x1xf32>
    %dot_general3A_203 = arith.constant dense<0.000000e+00> : vector<512x1xf32>
    %dot_general3A_204 = tpu.matmul %select_n3A_197, %add3A_202, %dot_general3A_203 {dimension_numbers = #tpu.dot_dimension_numbers<[1], [0], [0], [1], [0, 0, 1, 1], [], []>, precision = #tpu.contract_precision<fp32>, transpose_lhs_hint = false} : vector<512x128xf32>, vector<128x1xf32>, vector<512x1xf32> -> vector<512x1xf32>
    %add3A_205 = arith.addf %add3A_188, %dot_general3A_204 : vector<512x1xf32>
    %slice3A_206 = vector.extract_strided_slice %select_n3A_50 {offsets = [9, 0], sizes = [1, 128], strides = [1, 1]} : vector<32x128xf32> to vector<1x128xf32>
    %eq3A_207 = vector.broadcast %slice3A_206 : vector<1x128xf32> to vector<512x128xf32>
    %eq3A_208 = vector.broadcast %convert_element_type3A : vector<512x1xf32> to vector<512x128xf32>
    %eq3A_209 = arith.cmpf oeq, %eq3A_207, %eq3A_208 : vector<512x128xf32>
    %jit3A_210 = arith.constant 1.000000e+00 : f32
    %jit3A_211 = arith.constant 0.000000e+00 : f32
    %broadcast_in_dim3A_212 = vector.broadcast %jit3A_210 : f32 to vector<512x128xf32>
    %broadcast_in_dim3A_213 = vector.broadcast %jit3A_211 : f32 to vector<512x128xf32>
    %select_n3A_214 = arith.select %eq3A_209, %broadcast_in_dim3A_212, %broadcast_in_dim3A_213 : vector<512x128xi1>, vector<512x128xf32>
    %iota3A_215 = tpu.iota {dimensions = array<i32: 0>} : vector<128x1xi32>
    %convert_element_type3A_216 = arith.sitofp %iota3A_215 : vector<128x1xi32> to vector<128x1xf32>
    %add3A_217 = arith.constant 1.152000e+03 : f32
    %add3A_218 = vector.broadcast %add3A_217 : f32 to vector<128x1xf32>
    %add3A_219 = arith.addf %convert_element_type3A_216, %add3A_218 : vector<128x1xf32>
    %dot_general3A_220 = arith.constant dense<0.000000e+00> : vector<512x1xf32>
    %dot_general3A_221 = tpu.matmul %select_n3A_214, %add3A_219, %dot_general3A_220 {dimension_numbers = #tpu.dot_dimension_numbers<[1], [0], [0], [1], [0, 0, 1, 1], [], []>, precision = #tpu.contract_precision<fp32>, transpose_lhs_hint = false} : vector<512x128xf32>, vector<128x1xf32>, vector<512x1xf32> -> vector<512x1xf32>
    %add3A_222 = arith.addf %add3A_205, %dot_general3A_221 : vector<512x1xf32>
    %slice3A_223 = vector.extract_strided_slice %select_n3A_50 {offsets = [10, 0], sizes = [1, 128], strides = [1, 1]} : vector<32x128xf32> to vector<1x128xf32>
    %eq3A_224 = vector.broadcast %slice3A_223 : vector<1x128xf32> to vector<512x128xf32>
    %eq3A_225 = vector.broadcast %convert_element_type3A : vector<512x1xf32> to vector<512x128xf32>
    %eq3A_226 = arith.cmpf oeq, %eq3A_224, %eq3A_225 : vector<512x128xf32>
    %jit3A_227 = arith.constant 1.000000e+00 : f32
    %jit3A_228 = arith.constant 0.000000e+00 : f32
    %broadcast_in_dim3A_229 = vector.broadcast %jit3A_227 : f32 to vector<512x128xf32>
    %broadcast_in_dim3A_230 = vector.broadcast %jit3A_228 : f32 to vector<512x128xf32>
    %select_n3A_231 = arith.select %eq3A_226, %broadcast_in_dim3A_229, %broadcast_in_dim3A_230 : vector<512x128xi1>, vector<512x128xf32>
    %iota3A_232 = tpu.iota {dimensions = array<i32: 0>} : vector<128x1xi32>
    %convert_element_type3A_233 = arith.sitofp %iota3A_232 : vector<128x1xi32> to vector<128x1xf32>
    %add3A_234 = arith.constant 1.280000e+03 : f32
    %add3A_235 = vector.broadcast %add3A_234 : f32 to vector<128x1xf32>
    %add3A_236 = arith.addf %convert_element_type3A_233, %add3A_235 : vector<128x1xf32>
    %dot_general3A_237 = arith.constant dense<0.000000e+00> : vector<512x1xf32>
    %dot_general3A_238 = tpu.matmul %select_n3A_231, %add3A_236, %dot_general3A_237 {dimension_numbers = #tpu.dot_dimension_numbers<[1], [0], [0], [1], [0, 0, 1, 1], [], []>, precision = #tpu.contract_precision<fp32>, transpose_lhs_hint = false} : vector<512x128xf32>, vector<128x1xf32>, vector<512x1xf32> -> vector<512x1xf32>
    %add3A_239 = arith.addf %add3A_222, %dot_general3A_238 : vector<512x1xf32>
    %slice3A_240 = vector.extract_strided_slice %select_n3A_50 {offsets = [11, 0], sizes = [1, 128], strides = [1, 1]} : vector<32x128xf32> to vector<1x128xf32>
    %eq3A_241 = vector.broadcast %slice3A_240 : vector<1x128xf32> to vector<512x128xf32>
    %eq3A_242 = vector.broadcast %convert_element_type3A : vector<512x1xf32> to vector<512x128xf32>
    %eq3A_243 = arith.cmpf oeq, %eq3A_241, %eq3A_242 : vector<512x128xf32>
    %jit3A_244 = arith.constant 1.000000e+00 : f32
    %jit3A_245 = arith.constant 0.000000e+00 : f32
    %broadcast_in_dim3A_246 = vector.broadcast %jit3A_244 : f32 to vector<512x128xf32>
    %broadcast_in_dim3A_247 = vector.broadcast %jit3A_245 : f32 to vector<512x128xf32>
    %select_n3A_248 = arith.select %eq3A_243, %broadcast_in_dim3A_246, %broadcast_in_dim3A_247 : vector<512x128xi1>, vector<512x128xf32>
    %iota3A_249 = tpu.iota {dimensions = array<i32: 0>} : vector<128x1xi32>
    %convert_element_type3A_250 = arith.sitofp %iota3A_249 : vector<128x1xi32> to vector<128x1xf32>
    %add3A_251 = arith.constant 1.408000e+03 : f32
    %add3A_252 = vector.broadcast %add3A_251 : f32 to vector<128x1xf32>
    %add3A_253 = arith.addf %convert_element_type3A_250, %add3A_252 : vector<128x1xf32>
    %dot_general3A_254 = arith.constant dense<0.000000e+00> : vector<512x1xf32>
    %dot_general3A_255 = tpu.matmul %select_n3A_248, %add3A_253, %dot_general3A_254 {dimension_numbers = #tpu.dot_dimension_numbers<[1], [0], [0], [1], [0, 0, 1, 1], [], []>, precision = #tpu.contract_precision<fp32>, transpose_lhs_hint = false} : vector<512x128xf32>, vector<128x1xf32>, vector<512x1xf32> -> vector<512x1xf32>
    %add3A_256 = arith.addf %add3A_239, %dot_general3A_255 : vector<512x1xf32>
    %slice3A_257 = vector.extract_strided_slice %select_n3A_50 {offsets = [12, 0], sizes = [1, 128], strides = [1, 1]} : vector<32x128xf32> to vector<1x128xf32>
    %eq3A_258 = vector.broadcast %slice3A_257 : vector<1x128xf32> to vector<512x128xf32>
    %eq3A_259 = vector.broadcast %convert_element_type3A : vector<512x1xf32> to vector<512x128xf32>
    %eq3A_260 = arith.cmpf oeq, %eq3A_258, %eq3A_259 : vector<512x128xf32>
    %jit3A_261 = arith.constant 1.000000e+00 : f32
    %jit3A_262 = arith.constant 0.000000e+00 : f32
    %broadcast_in_dim3A_263 = vector.broadcast %jit3A_261 : f32 to vector<512x128xf32>
    %broadcast_in_dim3A_264 = vector.broadcast %jit3A_262 : f32 to vector<512x128xf32>
    %select_n3A_265 = arith.select %eq3A_260, %broadcast_in_dim3A_263, %broadcast_in_dim3A_264 : vector<512x128xi1>, vector<512x128xf32>
    %iota3A_266 = tpu.iota {dimensions = array<i32: 0>} : vector<128x1xi32>
    %convert_element_type3A_267 = arith.sitofp %iota3A_266 : vector<128x1xi32> to vector<128x1xf32>
    %add3A_268 = arith.constant 1.536000e+03 : f32
    %add3A_269 = vector.broadcast %add3A_268 : f32 to vector<128x1xf32>
    %add3A_270 = arith.addf %convert_element_type3A_267, %add3A_269 : vector<128x1xf32>
    %dot_general3A_271 = arith.constant dense<0.000000e+00> : vector<512x1xf32>
    %dot_general3A_272 = tpu.matmul %select_n3A_265, %add3A_270, %dot_general3A_271 {dimension_numbers = #tpu.dot_dimension_numbers<[1], [0], [0], [1], [0, 0, 1, 1], [], []>, precision = #tpu.contract_precision<fp32>, transpose_lhs_hint = false} : vector<512x128xf32>, vector<128x1xf32>, vector<512x1xf32> -> vector<512x1xf32>
    %add3A_273 = arith.addf %add3A_256, %dot_general3A_272 : vector<512x1xf32>
    %slice3A_274 = vector.extract_strided_slice %select_n3A_50 {offsets = [13, 0], sizes = [1, 128], strides = [1, 1]} : vector<32x128xf32> to vector<1x128xf32>
    %eq3A_275 = vector.broadcast %slice3A_274 : vector<1x128xf32> to vector<512x128xf32>
    %eq3A_276 = vector.broadcast %convert_element_type3A : vector<512x1xf32> to vector<512x128xf32>
    %eq3A_277 = arith.cmpf oeq, %eq3A_275, %eq3A_276 : vector<512x128xf32>
    %jit3A_278 = arith.constant 1.000000e+00 : f32
    %jit3A_279 = arith.constant 0.000000e+00 : f32
    %broadcast_in_dim3A_280 = vector.broadcast %jit3A_278 : f32 to vector<512x128xf32>
    %broadcast_in_dim3A_281 = vector.broadcast %jit3A_279 : f32 to vector<512x128xf32>
    %select_n3A_282 = arith.select %eq3A_277, %broadcast_in_dim3A_280, %broadcast_in_dim3A_281 : vector<512x128xi1>, vector<512x128xf32>
    %iota3A_283 = tpu.iota {dimensions = array<i32: 0>} : vector<128x1xi32>
    %convert_element_type3A_284 = arith.sitofp %iota3A_283 : vector<128x1xi32> to vector<128x1xf32>
    %add3A_285 = arith.constant 1.664000e+03 : f32
    %add3A_286 = vector.broadcast %add3A_285 : f32 to vector<128x1xf32>
    %add3A_287 = arith.addf %convert_element_type3A_284, %add3A_286 : vector<128x1xf32>
    %dot_general3A_288 = arith.constant dense<0.000000e+00> : vector<512x1xf32>
    %dot_general3A_289 = tpu.matmul %select_n3A_282, %add3A_287, %dot_general3A_288 {dimension_numbers = #tpu.dot_dimension_numbers<[1], [0], [0], [1], [0, 0, 1, 1], [], []>, precision = #tpu.contract_precision<fp32>, transpose_lhs_hint = false} : vector<512x128xf32>, vector<128x1xf32>, vector<512x1xf32> -> vector<512x1xf32>
    %add3A_290 = arith.addf %add3A_273, %dot_general3A_289 : vector<512x1xf32>
    %slice3A_291 = vector.extract_strided_slice %select_n3A_50 {offsets = [14, 0], sizes = [1, 128], strides = [1, 1]} : vector<32x128xf32> to vector<1x128xf32>
    %eq3A_292 = vector.broadcast %slice3A_291 : vector<1x128xf32> to vector<512x128xf32>
    %eq3A_293 = vector.broadcast %convert_element_type3A : vector<512x1xf32> to vector<512x128xf32>
    %eq3A_294 = arith.cmpf oeq, %eq3A_292, %eq3A_293 : vector<512x128xf32>
    %jit3A_295 = arith.constant 1.000000e+00 : f32
    %jit3A_296 = arith.constant 0.000000e+00 : f32
    %broadcast_in_dim3A_297 = vector.broadcast %jit3A_295 : f32 to vector<512x128xf32>
    %broadcast_in_dim3A_298 = vector.broadcast %jit3A_296 : f32 to vector<512x128xf32>
    %select_n3A_299 = arith.select %eq3A_294, %broadcast_in_dim3A_297, %broadcast_in_dim3A_298 : vector<512x128xi1>, vector<512x128xf32>
    %iota3A_300 = tpu.iota {dimensions = array<i32: 0>} : vector<128x1xi32>
    %convert_element_type3A_301 = arith.sitofp %iota3A_300 : vector<128x1xi32> to vector<128x1xf32>
    %add3A_302 = arith.constant 1.792000e+03 : f32
    %add3A_303 = vector.broadcast %add3A_302 : f32 to vector<128x1xf32>
    %add3A_304 = arith.addf %convert_element_type3A_301, %add3A_303 : vector<128x1xf32>
    %dot_general3A_305 = arith.constant dense<0.000000e+00> : vector<512x1xf32>
    %dot_general3A_306 = tpu.matmul %select_n3A_299, %add3A_304, %dot_general3A_305 {dimension_numbers = #tpu.dot_dimension_numbers<[1], [0], [0], [1], [0, 0, 1, 1], [], []>, precision = #tpu.contract_precision<fp32>, transpose_lhs_hint = false} : vector<512x128xf32>, vector<128x1xf32>, vector<512x1xf32> -> vector<512x1xf32>
    %add3A_307 = arith.addf %add3A_290, %dot_general3A_306 : vector<512x1xf32>
    %slice3A_308 = vector.extract_strided_slice %select_n3A_50 {offsets = [15, 0], sizes = [1, 128], strides = [1, 1]} : vector<32x128xf32> to vector<1x128xf32>
    %eq3A_309 = vector.broadcast %slice3A_308 : vector<1x128xf32> to vector<512x128xf32>
    %eq3A_310 = vector.broadcast %convert_element_type3A : vector<512x1xf32> to vector<512x128xf32>
    %eq3A_311 = arith.cmpf oeq, %eq3A_309, %eq3A_310 : vector<512x128xf32>
    %jit3A_312 = arith.constant 1.000000e+00 : f32
    %jit3A_313 = arith.constant 0.000000e+00 : f32
    %broadcast_in_dim3A_314 = vector.broadcast %jit3A_312 : f32 to vector<512x128xf32>
    %broadcast_in_dim3A_315 = vector.broadcast %jit3A_313 : f32 to vector<512x128xf32>
    %select_n3A_316 = arith.select %eq3A_311, %broadcast_in_dim3A_314, %broadcast_in_dim3A_315 : vector<512x128xi1>, vector<512x128xf32>
    %iota3A_317 = tpu.iota {dimensions = array<i32: 0>} : vector<128x1xi32>
    %convert_element_type3A_318 = arith.sitofp %iota3A_317 : vector<128x1xi32> to vector<128x1xf32>
    %add3A_319 = arith.constant 1.920000e+03 : f32
    %add3A_320 = vector.broadcast %add3A_319 : f32 to vector<128x1xf32>
    %add3A_321 = arith.addf %convert_element_type3A_318, %add3A_320 : vector<128x1xf32>
    %dot_general3A_322 = arith.constant dense<0.000000e+00> : vector<512x1xf32>
    %dot_general3A_323 = tpu.matmul %select_n3A_316, %add3A_321, %dot_general3A_322 {dimension_numbers = #tpu.dot_dimension_numbers<[1], [0], [0], [1], [0, 0, 1, 1], [], []>, precision = #tpu.contract_precision<fp32>, transpose_lhs_hint = false} : vector<512x128xf32>, vector<128x1xf32>, vector<512x1xf32> -> vector<512x1xf32>
    %add3A_324 = arith.addf %add3A_307, %dot_general3A_323 : vector<512x1xf32>
    %slice3A_325 = vector.extract_strided_slice %select_n3A_50 {offsets = [16, 0], sizes = [1, 128], strides = [1, 1]} : vector<32x128xf32> to vector<1x128xf32>
    %eq3A_326 = vector.broadcast %slice3A_325 : vector<1x128xf32> to vector<512x128xf32>
    %eq3A_327 = vector.broadcast %convert_element_type3A : vector<512x1xf32> to vector<512x128xf32>
    %eq3A_328 = arith.cmpf oeq, %eq3A_326, %eq3A_327 : vector<512x128xf32>
    %jit3A_329 = arith.constant 1.000000e+00 : f32
    %jit3A_330 = arith.constant 0.000000e+00 : f32
    %broadcast_in_dim3A_331 = vector.broadcast %jit3A_329 : f32 to vector<512x128xf32>
    %broadcast_in_dim3A_332 = vector.broadcast %jit3A_330 : f32 to vector<512x128xf32>
    %select_n3A_333 = arith.select %eq3A_328, %broadcast_in_dim3A_331, %broadcast_in_dim3A_332 : vector<512x128xi1>, vector<512x128xf32>
    %iota3A_334 = tpu.iota {dimensions = array<i32: 0>} : vector<128x1xi32>
    %convert_element_type3A_335 = arith.sitofp %iota3A_334 : vector<128x1xi32> to vector<128x1xf32>
    %add3A_336 = arith.constant 2.048000e+03 : f32
    %add3A_337 = vector.broadcast %add3A_336 : f32 to vector<128x1xf32>
    %add3A_338 = arith.addf %convert_element_type3A_335, %add3A_337 : vector<128x1xf32>
    %dot_general3A_339 = arith.constant dense<0.000000e+00> : vector<512x1xf32>
    %dot_general3A_340 = tpu.matmul %select_n3A_333, %add3A_338, %dot_general3A_339 {dimension_numbers = #tpu.dot_dimension_numbers<[1], [0], [0], [1], [0, 0, 1, 1], [], []>, precision = #tpu.contract_precision<fp32>, transpose_lhs_hint = false} : vector<512x128xf32>, vector<128x1xf32>, vector<512x1xf32> -> vector<512x1xf32>
    %add3A_341 = arith.addf %add3A_324, %dot_general3A_340 : vector<512x1xf32>
    %slice3A_342 = vector.extract_strided_slice %select_n3A_50 {offsets = [17, 0], sizes = [1, 128], strides = [1, 1]} : vector<32x128xf32> to vector<1x128xf32>
    %eq3A_343 = vector.broadcast %slice3A_342 : vector<1x128xf32> to vector<512x128xf32>
    %eq3A_344 = vector.broadcast %convert_element_type3A : vector<512x1xf32> to vector<512x128xf32>
    %eq3A_345 = arith.cmpf oeq, %eq3A_343, %eq3A_344 : vector<512x128xf32>
    %jit3A_346 = arith.constant 1.000000e+00 : f32
    %jit3A_347 = arith.constant 0.000000e+00 : f32
    %broadcast_in_dim3A_348 = vector.broadcast %jit3A_346 : f32 to vector<512x128xf32>
    %broadcast_in_dim3A_349 = vector.broadcast %jit3A_347 : f32 to vector<512x128xf32>
    %select_n3A_350 = arith.select %eq3A_345, %broadcast_in_dim3A_348, %broadcast_in_dim3A_349 : vector<512x128xi1>, vector<512x128xf32>
    %iota3A_351 = tpu.iota {dimensions = array<i32: 0>} : vector<128x1xi32>
    %convert_element_type3A_352 = arith.sitofp %iota3A_351 : vector<128x1xi32> to vector<128x1xf32>
    %add3A_353 = arith.constant 2.176000e+03 : f32
    %add3A_354 = vector.broadcast %add3A_353 : f32 to vector<128x1xf32>
    %add3A_355 = arith.addf %convert_element_type3A_352, %add3A_354 : vector<128x1xf32>
    %dot_general3A_356 = arith.constant dense<0.000000e+00> : vector<512x1xf32>
    %dot_general3A_357 = tpu.matmul %select_n3A_350, %add3A_355, %dot_general3A_356 {dimension_numbers = #tpu.dot_dimension_numbers<[1], [0], [0], [1], [0, 0, 1, 1], [], []>, precision = #tpu.contract_precision<fp32>, transpose_lhs_hint = false} : vector<512x128xf32>, vector<128x1xf32>, vector<512x1xf32> -> vector<512x1xf32>
    %add3A_358 = arith.addf %add3A_341, %dot_general3A_357 : vector<512x1xf32>
    %slice3A_359 = vector.extract_strided_slice %select_n3A_50 {offsets = [18, 0], sizes = [1, 128], strides = [1, 1]} : vector<32x128xf32> to vector<1x128xf32>
    %eq3A_360 = vector.broadcast %slice3A_359 : vector<1x128xf32> to vector<512x128xf32>
    %eq3A_361 = vector.broadcast %convert_element_type3A : vector<512x1xf32> to vector<512x128xf32>
    %eq3A_362 = arith.cmpf oeq, %eq3A_360, %eq3A_361 : vector<512x128xf32>
    %jit3A_363 = arith.constant 1.000000e+00 : f32
    %jit3A_364 = arith.constant 0.000000e+00 : f32
    %broadcast_in_dim3A_365 = vector.broadcast %jit3A_363 : f32 to vector<512x128xf32>
    %broadcast_in_dim3A_366 = vector.broadcast %jit3A_364 : f32 to vector<512x128xf32>
    %select_n3A_367 = arith.select %eq3A_362, %broadcast_in_dim3A_365, %broadcast_in_dim3A_366 : vector<512x128xi1>, vector<512x128xf32>
    %iota3A_368 = tpu.iota {dimensions = array<i32: 0>} : vector<128x1xi32>
    %convert_element_type3A_369 = arith.sitofp %iota3A_368 : vector<128x1xi32> to vector<128x1xf32>
    %add3A_370 = arith.constant 2.304000e+03 : f32
    %add3A_371 = vector.broadcast %add3A_370 : f32 to vector<128x1xf32>
    %add3A_372 = arith.addf %convert_element_type3A_369, %add3A_371 : vector<128x1xf32>
    %dot_general3A_373 = arith.constant dense<0.000000e+00> : vector<512x1xf32>
    %dot_general3A_374 = tpu.matmul %select_n3A_367, %add3A_372, %dot_general3A_373 {dimension_numbers = #tpu.dot_dimension_numbers<[1], [0], [0], [1], [0, 0, 1, 1], [], []>, precision = #tpu.contract_precision<fp32>, transpose_lhs_hint = false} : vector<512x128xf32>, vector<128x1xf32>, vector<512x1xf32> -> vector<512x1xf32>
    %add3A_375 = arith.addf %add3A_358, %dot_general3A_374 : vector<512x1xf32>
    %slice3A_376 = vector.extract_strided_slice %select_n3A_50 {offsets = [19, 0], sizes = [1, 128], strides = [1, 1]} : vector<32x128xf32> to vector<1x128xf32>
    %eq3A_377 = vector.broadcast %slice3A_376 : vector<1x128xf32> to vector<512x128xf32>
    %eq3A_378 = vector.broadcast %convert_element_type3A : vector<512x1xf32> to vector<512x128xf32>
    %eq3A_379 = arith.cmpf oeq, %eq3A_377, %eq3A_378 : vector<512x128xf32>
    %jit3A_380 = arith.constant 1.000000e+00 : f32
    %jit3A_381 = arith.constant 0.000000e+00 : f32
    %broadcast_in_dim3A_382 = vector.broadcast %jit3A_380 : f32 to vector<512x128xf32>
    %broadcast_in_dim3A_383 = vector.broadcast %jit3A_381 : f32 to vector<512x128xf32>
    %select_n3A_384 = arith.select %eq3A_379, %broadcast_in_dim3A_382, %broadcast_in_dim3A_383 : vector<512x128xi1>, vector<512x128xf32>
    %iota3A_385 = tpu.iota {dimensions = array<i32: 0>} : vector<128x1xi32>
    %convert_element_type3A_386 = arith.sitofp %iota3A_385 : vector<128x1xi32> to vector<128x1xf32>
    %add3A_387 = arith.constant 2.432000e+03 : f32
    %add3A_388 = vector.broadcast %add3A_387 : f32 to vector<128x1xf32>
    %add3A_389 = arith.addf %convert_element_type3A_386, %add3A_388 : vector<128x1xf32>
    %dot_general3A_390 = arith.constant dense<0.000000e+00> : vector<512x1xf32>
    %dot_general3A_391 = tpu.matmul %select_n3A_384, %add3A_389, %dot_general3A_390 {dimension_numbers = #tpu.dot_dimension_numbers<[1], [0], [0], [1], [0, 0, 1, 1], [], []>, precision = #tpu.contract_precision<fp32>, transpose_lhs_hint = false} : vector<512x128xf32>, vector<128x1xf32>, vector<512x1xf32> -> vector<512x1xf32>
    %add3A_392 = arith.addf %add3A_375, %dot_general3A_391 : vector<512x1xf32>
    %slice3A_393 = vector.extract_strided_slice %select_n3A_50 {offsets = [20, 0], sizes = [1, 128], strides = [1, 1]} : vector<32x128xf32> to vector<1x128xf32>
    %eq3A_394 = vector.broadcast %slice3A_393 : vector<1x128xf32> to vector<512x128xf32>
    %eq3A_395 = vector.broadcast %convert_element_type3A : vector<512x1xf32> to vector<512x128xf32>
    %eq3A_396 = arith.cmpf oeq, %eq3A_394, %eq3A_395 : vector<512x128xf32>
    %jit3A_397 = arith.constant 1.000000e+00 : f32
    %jit3A_398 = arith.constant 0.000000e+00 : f32
    %broadcast_in_dim3A_399 = vector.broadcast %jit3A_397 : f32 to vector<512x128xf32>
    %broadcast_in_dim3A_400 = vector.broadcast %jit3A_398 : f32 to vector<512x128xf32>
    %select_n3A_401 = arith.select %eq3A_396, %broadcast_in_dim3A_399, %broadcast_in_dim3A_400 : vector<512x128xi1>, vector<512x128xf32>
    %iota3A_402 = tpu.iota {dimensions = array<i32: 0>} : vector<128x1xi32>
    %convert_element_type3A_403 = arith.sitofp %iota3A_402 : vector<128x1xi32> to vector<128x1xf32>
    %add3A_404 = arith.constant 2.560000e+03 : f32
    %add3A_405 = vector.broadcast %add3A_404 : f32 to vector<128x1xf32>
    %add3A_406 = arith.addf %convert_element_type3A_403, %add3A_405 : vector<128x1xf32>
    %dot_general3A_407 = arith.constant dense<0.000000e+00> : vector<512x1xf32>
    %dot_general3A_408 = tpu.matmul %select_n3A_401, %add3A_406, %dot_general3A_407 {dimension_numbers = #tpu.dot_dimension_numbers<[1], [0], [0], [1], [0, 0, 1, 1], [], []>, precision = #tpu.contract_precision<fp32>, transpose_lhs_hint = false} : vector<512x128xf32>, vector<128x1xf32>, vector<512x1xf32> -> vector<512x1xf32>
    %add3A_409 = arith.addf %add3A_392, %dot_general3A_408 : vector<512x1xf32>
    %slice3A_410 = vector.extract_strided_slice %select_n3A_50 {offsets = [21, 0], sizes = [1, 128], strides = [1, 1]} : vector<32x128xf32> to vector<1x128xf32>
    %eq3A_411 = vector.broadcast %slice3A_410 : vector<1x128xf32> to vector<512x128xf32>
    %eq3A_412 = vector.broadcast %convert_element_type3A : vector<512x1xf32> to vector<512x128xf32>
    %eq3A_413 = arith.cmpf oeq, %eq3A_411, %eq3A_412 : vector<512x128xf32>
    %jit3A_414 = arith.constant 1.000000e+00 : f32
    %jit3A_415 = arith.constant 0.000000e+00 : f32
    %broadcast_in_dim3A_416 = vector.broadcast %jit3A_414 : f32 to vector<512x128xf32>
    %broadcast_in_dim3A_417 = vector.broadcast %jit3A_415 : f32 to vector<512x128xf32>
    %select_n3A_418 = arith.select %eq3A_413, %broadcast_in_dim3A_416, %broadcast_in_dim3A_417 : vector<512x128xi1>, vector<512x128xf32>
    %iota3A_419 = tpu.iota {dimensions = array<i32: 0>} : vector<128x1xi32>
    %convert_element_type3A_420 = arith.sitofp %iota3A_419 : vector<128x1xi32> to vector<128x1xf32>
    %add3A_421 = arith.constant 2.688000e+03 : f32
    %add3A_422 = vector.broadcast %add3A_421 : f32 to vector<128x1xf32>
    %add3A_423 = arith.addf %convert_element_type3A_420, %add3A_422 : vector<128x1xf32>
    %dot_general3A_424 = arith.constant dense<0.000000e+00> : vector<512x1xf32>
    %dot_general3A_425 = tpu.matmul %select_n3A_418, %add3A_423, %dot_general3A_424 {dimension_numbers = #tpu.dot_dimension_numbers<[1], [0], [0], [1], [0, 0, 1, 1], [], []>, precision = #tpu.contract_precision<fp32>, transpose_lhs_hint = false} : vector<512x128xf32>, vector<128x1xf32>, vector<512x1xf32> -> vector<512x1xf32>
    %add3A_426 = arith.addf %add3A_409, %dot_general3A_425 : vector<512x1xf32>
    %slice3A_427 = vector.extract_strided_slice %select_n3A_50 {offsets = [22, 0], sizes = [1, 128], strides = [1, 1]} : vector<32x128xf32> to vector<1x128xf32>
    %eq3A_428 = vector.broadcast %slice3A_427 : vector<1x128xf32> to vector<512x128xf32>
    %eq3A_429 = vector.broadcast %convert_element_type3A : vector<512x1xf32> to vector<512x128xf32>
    %eq3A_430 = arith.cmpf oeq, %eq3A_428, %eq3A_429 : vector<512x128xf32>
    %jit3A_431 = arith.constant 1.000000e+00 : f32
    %jit3A_432 = arith.constant 0.000000e+00 : f32
    %broadcast_in_dim3A_433 = vector.broadcast %jit3A_431 : f32 to vector<512x128xf32>
    %broadcast_in_dim3A_434 = vector.broadcast %jit3A_432 : f32 to vector<512x128xf32>
    %select_n3A_435 = arith.select %eq3A_430, %broadcast_in_dim3A_433, %broadcast_in_dim3A_434 : vector<512x128xi1>, vector<512x128xf32>
    %iota3A_436 = tpu.iota {dimensions = array<i32: 0>} : vector<128x1xi32>
    %convert_element_type3A_437 = arith.sitofp %iota3A_436 : vector<128x1xi32> to vector<128x1xf32>
    %add3A_438 = arith.constant 2.816000e+03 : f32
    %add3A_439 = vector.broadcast %add3A_438 : f32 to vector<128x1xf32>
    %add3A_440 = arith.addf %convert_element_type3A_437, %add3A_439 : vector<128x1xf32>
    %dot_general3A_441 = arith.constant dense<0.000000e+00> : vector<512x1xf32>
    %dot_general3A_442 = tpu.matmul %select_n3A_435, %add3A_440, %dot_general3A_441 {dimension_numbers = #tpu.dot_dimension_numbers<[1], [0], [0], [1], [0, 0, 1, 1], [], []>, precision = #tpu.contract_precision<fp32>, transpose_lhs_hint = false} : vector<512x128xf32>, vector<128x1xf32>, vector<512x1xf32> -> vector<512x1xf32>
    %add3A_443 = arith.addf %add3A_426, %dot_general3A_442 : vector<512x1xf32>
    %slice3A_444 = vector.extract_strided_slice %select_n3A_50 {offsets = [23, 0], sizes = [1, 128], strides = [1, 1]} : vector<32x128xf32> to vector<1x128xf32>
    %eq3A_445 = vector.broadcast %slice3A_444 : vector<1x128xf32> to vector<512x128xf32>
    %eq3A_446 = vector.broadcast %convert_element_type3A : vector<512x1xf32> to vector<512x128xf32>
    %eq3A_447 = arith.cmpf oeq, %eq3A_445, %eq3A_446 : vector<512x128xf32>
    %jit3A_448 = arith.constant 1.000000e+00 : f32
    %jit3A_449 = arith.constant 0.000000e+00 : f32
    %broadcast_in_dim3A_450 = vector.broadcast %jit3A_448 : f32 to vector<512x128xf32>
    %broadcast_in_dim3A_451 = vector.broadcast %jit3A_449 : f32 to vector<512x128xf32>
    %select_n3A_452 = arith.select %eq3A_447, %broadcast_in_dim3A_450, %broadcast_in_dim3A_451 : vector<512x128xi1>, vector<512x128xf32>
    %iota3A_453 = tpu.iota {dimensions = array<i32: 0>} : vector<128x1xi32>
    %convert_element_type3A_454 = arith.sitofp %iota3A_453 : vector<128x1xi32> to vector<128x1xf32>
    %add3A_455 = arith.constant 2.944000e+03 : f32
    %add3A_456 = vector.broadcast %add3A_455 : f32 to vector<128x1xf32>
    %add3A_457 = arith.addf %convert_element_type3A_454, %add3A_456 : vector<128x1xf32>
    %dot_general3A_458 = arith.constant dense<0.000000e+00> : vector<512x1xf32>
    %dot_general3A_459 = tpu.matmul %select_n3A_452, %add3A_457, %dot_general3A_458 {dimension_numbers = #tpu.dot_dimension_numbers<[1], [0], [0], [1], [0, 0, 1, 1], [], []>, precision = #tpu.contract_precision<fp32>, transpose_lhs_hint = false} : vector<512x128xf32>, vector<128x1xf32>, vector<512x1xf32> -> vector<512x1xf32>
    %add3A_460 = arith.addf %add3A_443, %dot_general3A_459 : vector<512x1xf32>
    %slice3A_461 = vector.extract_strided_slice %select_n3A_50 {offsets = [24, 0], sizes = [1, 128], strides = [1, 1]} : vector<32x128xf32> to vector<1x128xf32>
    %eq3A_462 = vector.broadcast %slice3A_461 : vector<1x128xf32> to vector<512x128xf32>
    %eq3A_463 = vector.broadcast %convert_element_type3A : vector<512x1xf32> to vector<512x128xf32>
    %eq3A_464 = arith.cmpf oeq, %eq3A_462, %eq3A_463 : vector<512x128xf32>
    %jit3A_465 = arith.constant 1.000000e+00 : f32
    %jit3A_466 = arith.constant 0.000000e+00 : f32
    %broadcast_in_dim3A_467 = vector.broadcast %jit3A_465 : f32 to vector<512x128xf32>
    %broadcast_in_dim3A_468 = vector.broadcast %jit3A_466 : f32 to vector<512x128xf32>
    %select_n3A_469 = arith.select %eq3A_464, %broadcast_in_dim3A_467, %broadcast_in_dim3A_468 : vector<512x128xi1>, vector<512x128xf32>
    %iota3A_470 = tpu.iota {dimensions = array<i32: 0>} : vector<128x1xi32>
    %convert_element_type3A_471 = arith.sitofp %iota3A_470 : vector<128x1xi32> to vector<128x1xf32>
    %add3A_472 = arith.constant 3.072000e+03 : f32
    %add3A_473 = vector.broadcast %add3A_472 : f32 to vector<128x1xf32>
    %add3A_474 = arith.addf %convert_element_type3A_471, %add3A_473 : vector<128x1xf32>
    %dot_general3A_475 = arith.constant dense<0.000000e+00> : vector<512x1xf32>
    %dot_general3A_476 = tpu.matmul %select_n3A_469, %add3A_474, %dot_general3A_475 {dimension_numbers = #tpu.dot_dimension_numbers<[1], [0], [0], [1], [0, 0, 1, 1], [], []>, precision = #tpu.contract_precision<fp32>, transpose_lhs_hint = false} : vector<512x128xf32>, vector<128x1xf32>, vector<512x1xf32> -> vector<512x1xf32>
    %add3A_477 = arith.addf %add3A_460, %dot_general3A_476 : vector<512x1xf32>
    %slice3A_478 = vector.extract_strided_slice %select_n3A_50 {offsets = [25, 0], sizes = [1, 128], strides = [1, 1]} : vector<32x128xf32> to vector<1x128xf32>
    %eq3A_479 = vector.broadcast %slice3A_478 : vector<1x128xf32> to vector<512x128xf32>
    %eq3A_480 = vector.broadcast %convert_element_type3A : vector<512x1xf32> to vector<512x128xf32>
    %eq3A_481 = arith.cmpf oeq, %eq3A_479, %eq3A_480 : vector<512x128xf32>
    %jit3A_482 = arith.constant 1.000000e+00 : f32
    %jit3A_483 = arith.constant 0.000000e+00 : f32
    %broadcast_in_dim3A_484 = vector.broadcast %jit3A_482 : f32 to vector<512x128xf32>
    %broadcast_in_dim3A_485 = vector.broadcast %jit3A_483 : f32 to vector<512x128xf32>
    %select_n3A_486 = arith.select %eq3A_481, %broadcast_in_dim3A_484, %broadcast_in_dim3A_485 : vector<512x128xi1>, vector<512x128xf32>
    %iota3A_487 = tpu.iota {dimensions = array<i32: 0>} : vector<128x1xi32>
    %convert_element_type3A_488 = arith.sitofp %iota3A_487 : vector<128x1xi32> to vector<128x1xf32>
    %add3A_489 = arith.constant 3.200000e+03 : f32
    %add3A_490 = vector.broadcast %add3A_489 : f32 to vector<128x1xf32>
    %add3A_491 = arith.addf %convert_element_type3A_488, %add3A_490 : vector<128x1xf32>
    %dot_general3A_492 = arith.constant dense<0.000000e+00> : vector<512x1xf32>
    %dot_general3A_493 = tpu.matmul %select_n3A_486, %add3A_491, %dot_general3A_492 {dimension_numbers = #tpu.dot_dimension_numbers<[1], [0], [0], [1], [0, 0, 1, 1], [], []>, precision = #tpu.contract_precision<fp32>, transpose_lhs_hint = false} : vector<512x128xf32>, vector<128x1xf32>, vector<512x1xf32> -> vector<512x1xf32>
    %add3A_494 = arith.addf %add3A_477, %dot_general3A_493 : vector<512x1xf32>
    %slice3A_495 = vector.extract_strided_slice %select_n3A_50 {offsets = [26, 0], sizes = [1, 128], strides = [1, 1]} : vector<32x128xf32> to vector<1x128xf32>
    %eq3A_496 = vector.broadcast %slice3A_495 : vector<1x128xf32> to vector<512x128xf32>
    %eq3A_497 = vector.broadcast %convert_element_type3A : vector<512x1xf32> to vector<512x128xf32>
    %eq3A_498 = arith.cmpf oeq, %eq3A_496, %eq3A_497 : vector<512x128xf32>
    %jit3A_499 = arith.constant 1.000000e+00 : f32
    %jit3A_500 = arith.constant 0.000000e+00 : f32
    %broadcast_in_dim3A_501 = vector.broadcast %jit3A_499 : f32 to vector<512x128xf32>
    %broadcast_in_dim3A_502 = vector.broadcast %jit3A_500 : f32 to vector<512x128xf32>
    %select_n3A_503 = arith.select %eq3A_498, %broadcast_in_dim3A_501, %broadcast_in_dim3A_502 : vector<512x128xi1>, vector<512x128xf32>
    %iota3A_504 = tpu.iota {dimensions = array<i32: 0>} : vector<128x1xi32>
    %convert_element_type3A_505 = arith.sitofp %iota3A_504 : vector<128x1xi32> to vector<128x1xf32>
    %add3A_506 = arith.constant 3.328000e+03 : f32
    %add3A_507 = vector.broadcast %add3A_506 : f32 to vector<128x1xf32>
    %add3A_508 = arith.addf %convert_element_type3A_505, %add3A_507 : vector<128x1xf32>
    %dot_general3A_509 = arith.constant dense<0.000000e+00> : vector<512x1xf32>
    %dot_general3A_510 = tpu.matmul %select_n3A_503, %add3A_508, %dot_general3A_509 {dimension_numbers = #tpu.dot_dimension_numbers<[1], [0], [0], [1], [0, 0, 1, 1], [], []>, precision = #tpu.contract_precision<fp32>, transpose_lhs_hint = false} : vector<512x128xf32>, vector<128x1xf32>, vector<512x1xf32> -> vector<512x1xf32>
    %add3A_511 = arith.addf %add3A_494, %dot_general3A_510 : vector<512x1xf32>
    %slice3A_512 = vector.extract_strided_slice %select_n3A_50 {offsets = [27, 0], sizes = [1, 128], strides = [1, 1]} : vector<32x128xf32> to vector<1x128xf32>
    %eq3A_513 = vector.broadcast %slice3A_512 : vector<1x128xf32> to vector<512x128xf32>
    %eq3A_514 = vector.broadcast %convert_element_type3A : vector<512x1xf32> to vector<512x128xf32>
    %eq3A_515 = arith.cmpf oeq, %eq3A_513, %eq3A_514 : vector<512x128xf32>
    %jit3A_516 = arith.constant 1.000000e+00 : f32
    %jit3A_517 = arith.constant 0.000000e+00 : f32
    %broadcast_in_dim3A_518 = vector.broadcast %jit3A_516 : f32 to vector<512x128xf32>
    %broadcast_in_dim3A_519 = vector.broadcast %jit3A_517 : f32 to vector<512x128xf32>
    %select_n3A_520 = arith.select %eq3A_515, %broadcast_in_dim3A_518, %broadcast_in_dim3A_519 : vector<512x128xi1>, vector<512x128xf32>
    %iota3A_521 = tpu.iota {dimensions = array<i32: 0>} : vector<128x1xi32>
    %convert_element_type3A_522 = arith.sitofp %iota3A_521 : vector<128x1xi32> to vector<128x1xf32>
    %add3A_523 = arith.constant 3.456000e+03 : f32
    %add3A_524 = vector.broadcast %add3A_523 : f32 to vector<128x1xf32>
    %add3A_525 = arith.addf %convert_element_type3A_522, %add3A_524 : vector<128x1xf32>
    %dot_general3A_526 = arith.constant dense<0.000000e+00> : vector<512x1xf32>
    %dot_general3A_527 = tpu.matmul %select_n3A_520, %add3A_525, %dot_general3A_526 {dimension_numbers = #tpu.dot_dimension_numbers<[1], [0], [0], [1], [0, 0, 1, 1], [], []>, precision = #tpu.contract_precision<fp32>, transpose_lhs_hint = false} : vector<512x128xf32>, vector<128x1xf32>, vector<512x1xf32> -> vector<512x1xf32>
    %add3A_528 = arith.addf %add3A_511, %dot_general3A_527 : vector<512x1xf32>
    %slice3A_529 = vector.extract_strided_slice %select_n3A_50 {offsets = [28, 0], sizes = [1, 128], strides = [1, 1]} : vector<32x128xf32> to vector<1x128xf32>
    %eq3A_530 = vector.broadcast %slice3A_529 : vector<1x128xf32> to vector<512x128xf32>
    %eq3A_531 = vector.broadcast %convert_element_type3A : vector<512x1xf32> to vector<512x128xf32>
    %eq3A_532 = arith.cmpf oeq, %eq3A_530, %eq3A_531 : vector<512x128xf32>
    %jit3A_533 = arith.constant 1.000000e+00 : f32
    %jit3A_534 = arith.constant 0.000000e+00 : f32
    %broadcast_in_dim3A_535 = vector.broadcast %jit3A_533 : f32 to vector<512x128xf32>
    %broadcast_in_dim3A_536 = vector.broadcast %jit3A_534 : f32 to vector<512x128xf32>
    %select_n3A_537 = arith.select %eq3A_532, %broadcast_in_dim3A_535, %broadcast_in_dim3A_536 : vector<512x128xi1>, vector<512x128xf32>
    %iota3A_538 = tpu.iota {dimensions = array<i32: 0>} : vector<128x1xi32>
    %convert_element_type3A_539 = arith.sitofp %iota3A_538 : vector<128x1xi32> to vector<128x1xf32>
    %add3A_540 = arith.constant 3.584000e+03 : f32
    %add3A_541 = vector.broadcast %add3A_540 : f32 to vector<128x1xf32>
    %add3A_542 = arith.addf %convert_element_type3A_539, %add3A_541 : vector<128x1xf32>
    %dot_general3A_543 = arith.constant dense<0.000000e+00> : vector<512x1xf32>
    %dot_general3A_544 = tpu.matmul %select_n3A_537, %add3A_542, %dot_general3A_543 {dimension_numbers = #tpu.dot_dimension_numbers<[1], [0], [0], [1], [0, 0, 1, 1], [], []>, precision = #tpu.contract_precision<fp32>, transpose_lhs_hint = false} : vector<512x128xf32>, vector<128x1xf32>, vector<512x1xf32> -> vector<512x1xf32>
    %add3A_545 = arith.addf %add3A_528, %dot_general3A_544 : vector<512x1xf32>
    %slice3A_546 = vector.extract_strided_slice %select_n3A_50 {offsets = [29, 0], sizes = [1, 128], strides = [1, 1]} : vector<32x128xf32> to vector<1x128xf32>
    %eq3A_547 = vector.broadcast %slice3A_546 : vector<1x128xf32> to vector<512x128xf32>
    %eq3A_548 = vector.broadcast %convert_element_type3A : vector<512x1xf32> to vector<512x128xf32>
    %eq3A_549 = arith.cmpf oeq, %eq3A_547, %eq3A_548 : vector<512x128xf32>
    %jit3A_550 = arith.constant 1.000000e+00 : f32
    %jit3A_551 = arith.constant 0.000000e+00 : f32
    %broadcast_in_dim3A_552 = vector.broadcast %jit3A_550 : f32 to vector<512x128xf32>
    %broadcast_in_dim3A_553 = vector.broadcast %jit3A_551 : f32 to vector<512x128xf32>
    %select_n3A_554 = arith.select %eq3A_549, %broadcast_in_dim3A_552, %broadcast_in_dim3A_553 : vector<512x128xi1>, vector<512x128xf32>
    %iota3A_555 = tpu.iota {dimensions = array<i32: 0>} : vector<128x1xi32>
    %convert_element_type3A_556 = arith.sitofp %iota3A_555 : vector<128x1xi32> to vector<128x1xf32>
    %add3A_557 = arith.constant 3.712000e+03 : f32
    %add3A_558 = vector.broadcast %add3A_557 : f32 to vector<128x1xf32>
    %add3A_559 = arith.addf %convert_element_type3A_556, %add3A_558 : vector<128x1xf32>
    %dot_general3A_560 = arith.constant dense<0.000000e+00> : vector<512x1xf32>
    %dot_general3A_561 = tpu.matmul %select_n3A_554, %add3A_559, %dot_general3A_560 {dimension_numbers = #tpu.dot_dimension_numbers<[1], [0], [0], [1], [0, 0, 1, 1], [], []>, precision = #tpu.contract_precision<fp32>, transpose_lhs_hint = false} : vector<512x128xf32>, vector<128x1xf32>, vector<512x1xf32> -> vector<512x1xf32>
    %add3A_562 = arith.addf %add3A_545, %dot_general3A_561 : vector<512x1xf32>
    %slice3A_563 = vector.extract_strided_slice %select_n3A_50 {offsets = [30, 0], sizes = [1, 128], strides = [1, 1]} : vector<32x128xf32> to vector<1x128xf32>
    %eq3A_564 = vector.broadcast %slice3A_563 : vector<1x128xf32> to vector<512x128xf32>
    %eq3A_565 = vector.broadcast %convert_element_type3A : vector<512x1xf32> to vector<512x128xf32>
    %eq3A_566 = arith.cmpf oeq, %eq3A_564, %eq3A_565 : vector<512x128xf32>
    %jit3A_567 = arith.constant 1.000000e+00 : f32
    %jit3A_568 = arith.constant 0.000000e+00 : f32
    %broadcast_in_dim3A_569 = vector.broadcast %jit3A_567 : f32 to vector<512x128xf32>
    %broadcast_in_dim3A_570 = vector.broadcast %jit3A_568 : f32 to vector<512x128xf32>
    %select_n3A_571 = arith.select %eq3A_566, %broadcast_in_dim3A_569, %broadcast_in_dim3A_570 : vector<512x128xi1>, vector<512x128xf32>
    %iota3A_572 = tpu.iota {dimensions = array<i32: 0>} : vector<128x1xi32>
    %convert_element_type3A_573 = arith.sitofp %iota3A_572 : vector<128x1xi32> to vector<128x1xf32>
    %add3A_574 = arith.constant 3.840000e+03 : f32
    %add3A_575 = vector.broadcast %add3A_574 : f32 to vector<128x1xf32>
    %add3A_576 = arith.addf %convert_element_type3A_573, %add3A_575 : vector<128x1xf32>
    %dot_general3A_577 = arith.constant dense<0.000000e+00> : vector<512x1xf32>
    %dot_general3A_578 = tpu.matmul %select_n3A_571, %add3A_576, %dot_general3A_577 {dimension_numbers = #tpu.dot_dimension_numbers<[1], [0], [0], [1], [0, 0, 1, 1], [], []>, precision = #tpu.contract_precision<fp32>, transpose_lhs_hint = false} : vector<512x128xf32>, vector<128x1xf32>, vector<512x1xf32> -> vector<512x1xf32>
    %add3A_579 = arith.addf %add3A_562, %dot_general3A_578 : vector<512x1xf32>
    %slice3A_580 = vector.extract_strided_slice %select_n3A_50 {offsets = [31, 0], sizes = [1, 128], strides = [1, 1]} : vector<32x128xf32> to vector<1x128xf32>
    %eq3A_581 = vector.broadcast %slice3A_580 : vector<1x128xf32> to vector<512x128xf32>
    %eq3A_582 = vector.broadcast %convert_element_type3A : vector<512x1xf32> to vector<512x128xf32>
    %eq3A_583 = arith.cmpf oeq, %eq3A_581, %eq3A_582 : vector<512x128xf32>
    %jit3A_584 = arith.constant 1.000000e+00 : f32
    %jit3A_585 = arith.constant 0.000000e+00 : f32
    %broadcast_in_dim3A_586 = vector.broadcast %jit3A_584 : f32 to vector<512x128xf32>
    %broadcast_in_dim3A_587 = vector.broadcast %jit3A_585 : f32 to vector<512x128xf32>
    %select_n3A_588 = arith.select %eq3A_583, %broadcast_in_dim3A_586, %broadcast_in_dim3A_587 : vector<512x128xi1>, vector<512x128xf32>
    %iota3A_589 = tpu.iota {dimensions = array<i32: 0>} : vector<128x1xi32>
    %convert_element_type3A_590 = arith.sitofp %iota3A_589 : vector<128x1xi32> to vector<128x1xf32>
    %add3A_591 = arith.constant 3.968000e+03 : f32
    %add3A_592 = vector.broadcast %add3A_591 : f32 to vector<128x1xf32>
    %add3A_593 = arith.addf %convert_element_type3A_590, %add3A_592 : vector<128x1xf32>
    %dot_general3A_594 = arith.constant dense<0.000000e+00> : vector<512x1xf32>
    %dot_general3A_595 = tpu.matmul %select_n3A_588, %add3A_593, %dot_general3A_594 {dimension_numbers = #tpu.dot_dimension_numbers<[1], [0], [0], [1], [0, 0, 1, 1], [], []>, precision = #tpu.contract_precision<fp32>, transpose_lhs_hint = false} : vector<512x128xf32>, vector<128x1xf32>, vector<512x1xf32> -> vector<512x1xf32>
    %add3A_596 = arith.addf %add3A_579, %dot_general3A_595 : vector<512x1xf32>
    %convert_element_type3A_597 = arith.fptosi %add3A_596 : vector<512x1xf32> to vector<512x1xi32>
    %swap3A = arith.constant 0 : index
    %swap3A_598 = arith.constant 0 : index
    %swap3A_599 = vector.load %arg3[%swap3A, %swap3A_598] : memref<512x1xi32, #tpu.memory_space<vmem>>, vector<512x1xi32>
    tpu.vector_store %arg3[%swap3A, %swap3A_598], %convert_element_type3A_597 {strides = array<i32>} : memref<512x1xi32, #tpu.memory_space<vmem>>, vector<512x1xi32>,
    return
  }
}

module attributes {stable_mosaic.version = 14 : i64} {
  func.func @_d_kern(%arg0: memref<18x18x18x256xf32, #tpu.memory_space<vmem>>, %arg1: memref<27x256xf32, #tpu.memory_space<vmem>>, %arg2: memref<1x256xf32, #tpu.memory_space<vmem>>, %arg3: memref<16x16x16x256xf32, #tpu.memory_space<vmem>>) attributes {dimension_semantics = [], scalar_prefetch = 0 : i64, scratch_operands = 0 : i64, tpu.core_type = #tpu.core_type<tc>} {
    %broadcast_in_dim3A = arith.constant 0.000000e+00 : f32
    %broadcast_in_dim3A_0 = vector.broadcast %broadcast_in_dim3A : f32 to vector<16x16x16x256xf32>
    %get3A = arith.constant 0 : index
    %get3A_1 = arith.constant 0 : index
    %get3A_2 = arith.constant 0 : index
    %get3A_3 = arith.constant 0 : index
    %get3A_4 = vector.load %arg0[%get3A, %get3A_1, %get3A_2, %get3A_3] : memref<18x18x18x256xf32, #tpu.memory_space<vmem>>, vector<16x16x16x256xf32>
    %get3A_5 = arith.constant 0 : index
    %get3A_6 = arith.constant 0 : index
    %get3A_7 = vector.load %arg1[%get3A_5, %get3A_6] : memref<27x256xf32, #tpu.memory_space<vmem>>, vector<1x256xf32>
    %get3A_8 = vector.shape_cast %get3A_7 : vector<1x256xf32> to vector<256xf32>
    %broadcast_in_dim3A_9 = vector.shape_cast %get3A_8 : vector<256xf32> to vector<1x1x1x256xf32>
    %mul3A = vector.broadcast %broadcast_in_dim3A_9 : vector<1x1x1x256xf32> to vector<16x16x16x256xf32>
    %mul3A_10 = arith.mulf %get3A_4, %mul3A : vector<16x16x16x256xf32>
    %add3A = arith.addf %broadcast_in_dim3A_0, %mul3A_10 : vector<16x16x16x256xf32>
    %get3A_11 = arith.constant 0 : index
    %get3A_12 = arith.constant 0 : index
    %get3A_13 = arith.constant 1 : index
    %get3A_14 = arith.constant 0 : index
    %get3A_15 = vector.load %arg0[%get3A_11, %get3A_12, %get3A_13, %get3A_14] : memref<18x18x18x256xf32, #tpu.memory_space<vmem>>, vector<16x16x16x256xf32>
    %get3A_16 = arith.constant 1 : index
    %get3A_17 = arith.constant 0 : index
    %get3A_18 = vector.load %arg1[%get3A_16, %get3A_17] : memref<27x256xf32, #tpu.memory_space<vmem>>, vector<1x256xf32>
    %get3A_19 = vector.shape_cast %get3A_18 : vector<1x256xf32> to vector<256xf32>
    %broadcast_in_dim3A_20 = vector.shape_cast %get3A_19 : vector<256xf32> to vector<1x1x1x256xf32>
    %mul3A_21 = vector.broadcast %broadcast_in_dim3A_20 : vector<1x1x1x256xf32> to vector<16x16x16x256xf32>
    %mul3A_22 = arith.mulf %get3A_15, %mul3A_21 : vector<16x16x16x256xf32>
    %add3A_23 = arith.addf %add3A, %mul3A_22 : vector<16x16x16x256xf32>
    %get3A_24 = arith.constant 0 : index
    %get3A_25 = arith.constant 0 : index
    %get3A_26 = arith.constant 2 : index
    %get3A_27 = arith.constant 0 : index
    %get3A_28 = vector.load %arg0[%get3A_24, %get3A_25, %get3A_26, %get3A_27] : memref<18x18x18x256xf32, #tpu.memory_space<vmem>>, vector<16x16x16x256xf32>
    %get3A_29 = arith.constant 2 : index
    %get3A_30 = arith.constant 0 : index
    %get3A_31 = vector.load %arg1[%get3A_29, %get3A_30] : memref<27x256xf32, #tpu.memory_space<vmem>>, vector<1x256xf32>
    %get3A_32 = vector.shape_cast %get3A_31 : vector<1x256xf32> to vector<256xf32>
    %broadcast_in_dim3A_33 = vector.shape_cast %get3A_32 : vector<256xf32> to vector<1x1x1x256xf32>
    %mul3A_34 = vector.broadcast %broadcast_in_dim3A_33 : vector<1x1x1x256xf32> to vector<16x16x16x256xf32>
    %mul3A_35 = arith.mulf %get3A_28, %mul3A_34 : vector<16x16x16x256xf32>
    %add3A_36 = arith.addf %add3A_23, %mul3A_35 : vector<16x16x16x256xf32>
    %get3A_37 = arith.constant 0 : index
    %get3A_38 = arith.constant 1 : index
    %get3A_39 = arith.constant 0 : index
    %get3A_40 = arith.constant 0 : index
    %get3A_41 = vector.load %arg0[%get3A_37, %get3A_38, %get3A_39, %get3A_40] : memref<18x18x18x256xf32, #tpu.memory_space<vmem>>, vector<16x16x16x256xf32>
    %get3A_42 = arith.constant 3 : index
    %get3A_43 = arith.constant 0 : index
    %get3A_44 = vector.load %arg1[%get3A_42, %get3A_43] : memref<27x256xf32, #tpu.memory_space<vmem>>, vector<1x256xf32>
    %get3A_45 = vector.shape_cast %get3A_44 : vector<1x256xf32> to vector<256xf32>
    %broadcast_in_dim3A_46 = vector.shape_cast %get3A_45 : vector<256xf32> to vector<1x1x1x256xf32>
    %mul3A_47 = vector.broadcast %broadcast_in_dim3A_46 : vector<1x1x1x256xf32> to vector<16x16x16x256xf32>
    %mul3A_48 = arith.mulf %get3A_41, %mul3A_47 : vector<16x16x16x256xf32>
    %add3A_49 = arith.addf %add3A_36, %mul3A_48 : vector<16x16x16x256xf32>
    %get3A_50 = arith.constant 0 : index
    %get3A_51 = arith.constant 1 : index
    %get3A_52 = arith.constant 1 : index
    %get3A_53 = arith.constant 0 : index
    %get3A_54 = vector.load %arg0[%get3A_50, %get3A_51, %get3A_52, %get3A_53] : memref<18x18x18x256xf32, #tpu.memory_space<vmem>>, vector<16x16x16x256xf32>
    %get3A_55 = arith.constant 4 : index
    %get3A_56 = arith.constant 0 : index
    %get3A_57 = vector.load %arg1[%get3A_55, %get3A_56] : memref<27x256xf32, #tpu.memory_space<vmem>>, vector<1x256xf32>
    %get3A_58 = vector.shape_cast %get3A_57 : vector<1x256xf32> to vector<256xf32>
    %broadcast_in_dim3A_59 = vector.shape_cast %get3A_58 : vector<256xf32> to vector<1x1x1x256xf32>
    %mul3A_60 = vector.broadcast %broadcast_in_dim3A_59 : vector<1x1x1x256xf32> to vector<16x16x16x256xf32>
    %mul3A_61 = arith.mulf %get3A_54, %mul3A_60 : vector<16x16x16x256xf32>
    %add3A_62 = arith.addf %add3A_49, %mul3A_61 : vector<16x16x16x256xf32>
    %get3A_63 = arith.constant 0 : index
    %get3A_64 = arith.constant 1 : index
    %get3A_65 = arith.constant 2 : index
    %get3A_66 = arith.constant 0 : index
    %get3A_67 = vector.load %arg0[%get3A_63, %get3A_64, %get3A_65, %get3A_66] : memref<18x18x18x256xf32, #tpu.memory_space<vmem>>, vector<16x16x16x256xf32>
    %get3A_68 = arith.constant 5 : index
    %get3A_69 = arith.constant 0 : index
    %get3A_70 = vector.load %arg1[%get3A_68, %get3A_69] : memref<27x256xf32, #tpu.memory_space<vmem>>, vector<1x256xf32>
    %get3A_71 = vector.shape_cast %get3A_70 : vector<1x256xf32> to vector<256xf32>
    %broadcast_in_dim3A_72 = vector.shape_cast %get3A_71 : vector<256xf32> to vector<1x1x1x256xf32>
    %mul3A_73 = vector.broadcast %broadcast_in_dim3A_72 : vector<1x1x1x256xf32> to vector<16x16x16x256xf32>
    %mul3A_74 = arith.mulf %get3A_67, %mul3A_73 : vector<16x16x16x256xf32>
    %add3A_75 = arith.addf %add3A_62, %mul3A_74 : vector<16x16x16x256xf32>
    %get3A_76 = arith.constant 0 : index
    %get3A_77 = arith.constant 2 : index
    %get3A_78 = arith.constant 0 : index
    %get3A_79 = arith.constant 0 : index
    %get3A_80 = vector.load %arg0[%get3A_76, %get3A_77, %get3A_78, %get3A_79] : memref<18x18x18x256xf32, #tpu.memory_space<vmem>>, vector<16x16x16x256xf32>
    %get3A_81 = arith.constant 6 : index
    %get3A_82 = arith.constant 0 : index
    %get3A_83 = vector.load %arg1[%get3A_81, %get3A_82] : memref<27x256xf32, #tpu.memory_space<vmem>>, vector<1x256xf32>
    %get3A_84 = vector.shape_cast %get3A_83 : vector<1x256xf32> to vector<256xf32>
    %broadcast_in_dim3A_85 = vector.shape_cast %get3A_84 : vector<256xf32> to vector<1x1x1x256xf32>
    %mul3A_86 = vector.broadcast %broadcast_in_dim3A_85 : vector<1x1x1x256xf32> to vector<16x16x16x256xf32>
    %mul3A_87 = arith.mulf %get3A_80, %mul3A_86 : vector<16x16x16x256xf32>
    %add3A_88 = arith.addf %add3A_75, %mul3A_87 : vector<16x16x16x256xf32>
    %get3A_89 = arith.constant 0 : index
    %get3A_90 = arith.constant 2 : index
    %get3A_91 = arith.constant 1 : index
    %get3A_92 = arith.constant 0 : index
    %get3A_93 = vector.load %arg0[%get3A_89, %get3A_90, %get3A_91, %get3A_92] : memref<18x18x18x256xf32, #tpu.memory_space<vmem>>, vector<16x16x16x256xf32>
    %get3A_94 = arith.constant 7 : index
    %get3A_95 = arith.constant 0 : index
    %get3A_96 = vector.load %arg1[%get3A_94, %get3A_95] : memref<27x256xf32, #tpu.memory_space<vmem>>, vector<1x256xf32>
    %get3A_97 = vector.shape_cast %get3A_96 : vector<1x256xf32> to vector<256xf32>
    %broadcast_in_dim3A_98 = vector.shape_cast %get3A_97 : vector<256xf32> to vector<1x1x1x256xf32>
    %mul3A_99 = vector.broadcast %broadcast_in_dim3A_98 : vector<1x1x1x256xf32> to vector<16x16x16x256xf32>
    %mul3A_100 = arith.mulf %get3A_93, %mul3A_99 : vector<16x16x16x256xf32>
    %add3A_101 = arith.addf %add3A_88, %mul3A_100 : vector<16x16x16x256xf32>
    %get3A_102 = arith.constant 0 : index
    %get3A_103 = arith.constant 2 : index
    %get3A_104 = arith.constant 2 : index
    %get3A_105 = arith.constant 0 : index
    %get3A_106 = vector.load %arg0[%get3A_102, %get3A_103, %get3A_104, %get3A_105] : memref<18x18x18x256xf32, #tpu.memory_space<vmem>>, vector<16x16x16x256xf32>
    %get3A_107 = arith.constant 8 : index
    %get3A_108 = arith.constant 0 : index
    %get3A_109 = vector.load %arg1[%get3A_107, %get3A_108] : memref<27x256xf32, #tpu.memory_space<vmem>>, vector<1x256xf32>
    %get3A_110 = vector.shape_cast %get3A_109 : vector<1x256xf32> to vector<256xf32>
    %broadcast_in_dim3A_111 = vector.shape_cast %get3A_110 : vector<256xf32> to vector<1x1x1x256xf32>
    %mul3A_112 = vector.broadcast %broadcast_in_dim3A_111 : vector<1x1x1x256xf32> to vector<16x16x16x256xf32>
    %mul3A_113 = arith.mulf %get3A_106, %mul3A_112 : vector<16x16x16x256xf32>
    %add3A_114 = arith.addf %add3A_101, %mul3A_113 : vector<16x16x16x256xf32>
    %get3A_115 = arith.constant 1 : index
    %get3A_116 = arith.constant 0 : index
    %get3A_117 = arith.constant 0 : index
    %get3A_118 = arith.constant 0 : index
    %get3A_119 = vector.load %arg0[%get3A_115, %get3A_116, %get3A_117, %get3A_118] : memref<18x18x18x256xf32, #tpu.memory_space<vmem>>, vector<16x16x16x256xf32>
    %get3A_120 = arith.constant 9 : index
    %get3A_121 = arith.constant 0 : index
    %get3A_122 = vector.load %arg1[%get3A_120, %get3A_121] : memref<27x256xf32, #tpu.memory_space<vmem>>, vector<1x256xf32>
    %get3A_123 = vector.shape_cast %get3A_122 : vector<1x256xf32> to vector<256xf32>
    %broadcast_in_dim3A_124 = vector.shape_cast %get3A_123 : vector<256xf32> to vector<1x1x1x256xf32>
    %mul3A_125 = vector.broadcast %broadcast_in_dim3A_124 : vector<1x1x1x256xf32> to vector<16x16x16x256xf32>
    %mul3A_126 = arith.mulf %get3A_119, %mul3A_125 : vector<16x16x16x256xf32>
    %add3A_127 = arith.addf %add3A_114, %mul3A_126 : vector<16x16x16x256xf32>
    %get3A_128 = arith.constant 1 : index
    %get3A_129 = arith.constant 0 : index
    %get3A_130 = arith.constant 1 : index
    %get3A_131 = arith.constant 0 : index
    %get3A_132 = vector.load %arg0[%get3A_128, %get3A_129, %get3A_130, %get3A_131] : memref<18x18x18x256xf32, #tpu.memory_space<vmem>>, vector<16x16x16x256xf32>
    %get3A_133 = arith.constant 10 : index
    %get3A_134 = arith.constant 0 : index
    %get3A_135 = vector.load %arg1[%get3A_133, %get3A_134] : memref<27x256xf32, #tpu.memory_space<vmem>>, vector<1x256xf32>
    %get3A_136 = vector.shape_cast %get3A_135 : vector<1x256xf32> to vector<256xf32>
    %broadcast_in_dim3A_137 = vector.shape_cast %get3A_136 : vector<256xf32> to vector<1x1x1x256xf32>
    %mul3A_138 = vector.broadcast %broadcast_in_dim3A_137 : vector<1x1x1x256xf32> to vector<16x16x16x256xf32>
    %mul3A_139 = arith.mulf %get3A_132, %mul3A_138 : vector<16x16x16x256xf32>
    %add3A_140 = arith.addf %add3A_127, %mul3A_139 : vector<16x16x16x256xf32>
    %get3A_141 = arith.constant 1 : index
    %get3A_142 = arith.constant 0 : index
    %get3A_143 = arith.constant 2 : index
    %get3A_144 = arith.constant 0 : index
    %get3A_145 = vector.load %arg0[%get3A_141, %get3A_142, %get3A_143, %get3A_144] : memref<18x18x18x256xf32, #tpu.memory_space<vmem>>, vector<16x16x16x256xf32>
    %get3A_146 = arith.constant 11 : index
    %get3A_147 = arith.constant 0 : index
    %get3A_148 = vector.load %arg1[%get3A_146, %get3A_147] : memref<27x256xf32, #tpu.memory_space<vmem>>, vector<1x256xf32>
    %get3A_149 = vector.shape_cast %get3A_148 : vector<1x256xf32> to vector<256xf32>
    %broadcast_in_dim3A_150 = vector.shape_cast %get3A_149 : vector<256xf32> to vector<1x1x1x256xf32>
    %mul3A_151 = vector.broadcast %broadcast_in_dim3A_150 : vector<1x1x1x256xf32> to vector<16x16x16x256xf32>
    %mul3A_152 = arith.mulf %get3A_145, %mul3A_151 : vector<16x16x16x256xf32>
    %add3A_153 = arith.addf %add3A_140, %mul3A_152 : vector<16x16x16x256xf32>
    %get3A_154 = arith.constant 1 : index
    %get3A_155 = arith.constant 1 : index
    %get3A_156 = arith.constant 0 : index
    %get3A_157 = arith.constant 0 : index
    %get3A_158 = vector.load %arg0[%get3A_154, %get3A_155, %get3A_156, %get3A_157] : memref<18x18x18x256xf32, #tpu.memory_space<vmem>>, vector<16x16x16x256xf32>
    %get3A_159 = arith.constant 12 : index
    %get3A_160 = arith.constant 0 : index
    %get3A_161 = vector.load %arg1[%get3A_159, %get3A_160] : memref<27x256xf32, #tpu.memory_space<vmem>>, vector<1x256xf32>
    %get3A_162 = vector.shape_cast %get3A_161 : vector<1x256xf32> to vector<256xf32>
    %broadcast_in_dim3A_163 = vector.shape_cast %get3A_162 : vector<256xf32> to vector<1x1x1x256xf32>
    %mul3A_164 = vector.broadcast %broadcast_in_dim3A_163 : vector<1x1x1x256xf32> to vector<16x16x16x256xf32>
    %mul3A_165 = arith.mulf %get3A_158, %mul3A_164 : vector<16x16x16x256xf32>
    %add3A_166 = arith.addf %add3A_153, %mul3A_165 : vector<16x16x16x256xf32>
    %get3A_167 = arith.constant 1 : index
    %get3A_168 = arith.constant 1 : index
    %get3A_169 = arith.constant 1 : index
    %get3A_170 = arith.constant 0 : index
    %get3A_171 = vector.load %arg0[%get3A_167, %get3A_168, %get3A_169, %get3A_170] : memref<18x18x18x256xf32, #tpu.memory_space<vmem>>, vector<16x16x16x256xf32>
    %get3A_172 = arith.constant 13 : index
    %get3A_173 = arith.constant 0 : index
    %get3A_174 = vector.load %arg1[%get3A_172, %get3A_173] : memref<27x256xf32, #tpu.memory_space<vmem>>, vector<1x256xf32>
    %get3A_175 = vector.shape_cast %get3A_174 : vector<1x256xf32> to vector<256xf32>
    %broadcast_in_dim3A_176 = vector.shape_cast %get3A_175 : vector<256xf32> to vector<1x1x1x256xf32>
    %mul3A_177 = vector.broadcast %broadcast_in_dim3A_176 : vector<1x1x1x256xf32> to vector<16x16x16x256xf32>
    %mul3A_178 = arith.mulf %get3A_171, %mul3A_177 : vector<16x16x16x256xf32>
    %add3A_179 = arith.addf %add3A_166, %mul3A_178 : vector<16x16x16x256xf32>
    %get3A_180 = arith.constant 1 : index
    %get3A_181 = arith.constant 1 : index
    %get3A_182 = arith.constant 2 : index
    %get3A_183 = arith.constant 0 : index
    %get3A_184 = vector.load %arg0[%get3A_180, %get3A_181, %get3A_182, %get3A_183] : memref<18x18x18x256xf32, #tpu.memory_space<vmem>>, vector<16x16x16x256xf32>
    %get3A_185 = arith.constant 14 : index
    %get3A_186 = arith.constant 0 : index
    %get3A_187 = vector.load %arg1[%get3A_185, %get3A_186] : memref<27x256xf32, #tpu.memory_space<vmem>>, vector<1x256xf32>
    %get3A_188 = vector.shape_cast %get3A_187 : vector<1x256xf32> to vector<256xf32>
    %broadcast_in_dim3A_189 = vector.shape_cast %get3A_188 : vector<256xf32> to vector<1x1x1x256xf32>
    %mul3A_190 = vector.broadcast %broadcast_in_dim3A_189 : vector<1x1x1x256xf32> to vector<16x16x16x256xf32>
    %mul3A_191 = arith.mulf %get3A_184, %mul3A_190 : vector<16x16x16x256xf32>
    %add3A_192 = arith.addf %add3A_179, %mul3A_191 : vector<16x16x16x256xf32>
    %get3A_193 = arith.constant 1 : index
    %get3A_194 = arith.constant 2 : index
    %get3A_195 = arith.constant 0 : index
    %get3A_196 = arith.constant 0 : index
    %get3A_197 = vector.load %arg0[%get3A_193, %get3A_194, %get3A_195, %get3A_196] : memref<18x18x18x256xf32, #tpu.memory_space<vmem>>, vector<16x16x16x256xf32>
    %get3A_198 = arith.constant 15 : index
    %get3A_199 = arith.constant 0 : index
    %get3A_200 = vector.load %arg1[%get3A_198, %get3A_199] : memref<27x256xf32, #tpu.memory_space<vmem>>, vector<1x256xf32>
    %get3A_201 = vector.shape_cast %get3A_200 : vector<1x256xf32> to vector<256xf32>
    %broadcast_in_dim3A_202 = vector.shape_cast %get3A_201 : vector<256xf32> to vector<1x1x1x256xf32>
    %mul3A_203 = vector.broadcast %broadcast_in_dim3A_202 : vector<1x1x1x256xf32> to vector<16x16x16x256xf32>
    %mul3A_204 = arith.mulf %get3A_197, %mul3A_203 : vector<16x16x16x256xf32>
    %add3A_205 = arith.addf %add3A_192, %mul3A_204 : vector<16x16x16x256xf32>
    %get3A_206 = arith.constant 1 : index
    %get3A_207 = arith.constant 2 : index
    %get3A_208 = arith.constant 1 : index
    %get3A_209 = arith.constant 0 : index
    %get3A_210 = vector.load %arg0[%get3A_206, %get3A_207, %get3A_208, %get3A_209] : memref<18x18x18x256xf32, #tpu.memory_space<vmem>>, vector<16x16x16x256xf32>
    %get3A_211 = arith.constant 16 : index
    %get3A_212 = arith.constant 0 : index
    %get3A_213 = vector.load %arg1[%get3A_211, %get3A_212] : memref<27x256xf32, #tpu.memory_space<vmem>>, vector<1x256xf32>
    %get3A_214 = vector.shape_cast %get3A_213 : vector<1x256xf32> to vector<256xf32>
    %broadcast_in_dim3A_215 = vector.shape_cast %get3A_214 : vector<256xf32> to vector<1x1x1x256xf32>
    %mul3A_216 = vector.broadcast %broadcast_in_dim3A_215 : vector<1x1x1x256xf32> to vector<16x16x16x256xf32>
    %mul3A_217 = arith.mulf %get3A_210, %mul3A_216 : vector<16x16x16x256xf32>
    %add3A_218 = arith.addf %add3A_205, %mul3A_217 : vector<16x16x16x256xf32>
    %get3A_219 = arith.constant 1 : index
    %get3A_220 = arith.constant 2 : index
    %get3A_221 = arith.constant 2 : index
    %get3A_222 = arith.constant 0 : index
    %get3A_223 = vector.load %arg0[%get3A_219, %get3A_220, %get3A_221, %get3A_222] : memref<18x18x18x256xf32, #tpu.memory_space<vmem>>, vector<16x16x16x256xf32>
    %get3A_224 = arith.constant 17 : index
    %get3A_225 = arith.constant 0 : index
    %get3A_226 = vector.load %arg1[%get3A_224, %get3A_225] : memref<27x256xf32, #tpu.memory_space<vmem>>, vector<1x256xf32>
    %get3A_227 = vector.shape_cast %get3A_226 : vector<1x256xf32> to vector<256xf32>
    %broadcast_in_dim3A_228 = vector.shape_cast %get3A_227 : vector<256xf32> to vector<1x1x1x256xf32>
    %mul3A_229 = vector.broadcast %broadcast_in_dim3A_228 : vector<1x1x1x256xf32> to vector<16x16x16x256xf32>
    %mul3A_230 = arith.mulf %get3A_223, %mul3A_229 : vector<16x16x16x256xf32>
    %add3A_231 = arith.addf %add3A_218, %mul3A_230 : vector<16x16x16x256xf32>
    %get3A_232 = arith.constant 2 : index
    %get3A_233 = arith.constant 0 : index
    %get3A_234 = arith.constant 0 : index
    %get3A_235 = arith.constant 0 : index
    %get3A_236 = vector.load %arg0[%get3A_232, %get3A_233, %get3A_234, %get3A_235] : memref<18x18x18x256xf32, #tpu.memory_space<vmem>>, vector<16x16x16x256xf32>
    %get3A_237 = arith.constant 18 : index
    %get3A_238 = arith.constant 0 : index
    %get3A_239 = vector.load %arg1[%get3A_237, %get3A_238] : memref<27x256xf32, #tpu.memory_space<vmem>>, vector<1x256xf32>
    %get3A_240 = vector.shape_cast %get3A_239 : vector<1x256xf32> to vector<256xf32>
    %broadcast_in_dim3A_241 = vector.shape_cast %get3A_240 : vector<256xf32> to vector<1x1x1x256xf32>
    %mul3A_242 = vector.broadcast %broadcast_in_dim3A_241 : vector<1x1x1x256xf32> to vector<16x16x16x256xf32>
    %mul3A_243 = arith.mulf %get3A_236, %mul3A_242 : vector<16x16x16x256xf32>
    %add3A_244 = arith.addf %add3A_231, %mul3A_243 : vector<16x16x16x256xf32>
    %get3A_245 = arith.constant 2 : index
    %get3A_246 = arith.constant 0 : index
    %get3A_247 = arith.constant 1 : index
    %get3A_248 = arith.constant 0 : index
    %get3A_249 = vector.load %arg0[%get3A_245, %get3A_246, %get3A_247, %get3A_248] : memref<18x18x18x256xf32, #tpu.memory_space<vmem>>, vector<16x16x16x256xf32>
    %get3A_250 = arith.constant 19 : index
    %get3A_251 = arith.constant 0 : index
    %get3A_252 = vector.load %arg1[%get3A_250, %get3A_251] : memref<27x256xf32, #tpu.memory_space<vmem>>, vector<1x256xf32>
    %get3A_253 = vector.shape_cast %get3A_252 : vector<1x256xf32> to vector<256xf32>
    %broadcast_in_dim3A_254 = vector.shape_cast %get3A_253 : vector<256xf32> to vector<1x1x1x256xf32>
    %mul3A_255 = vector.broadcast %broadcast_in_dim3A_254 : vector<1x1x1x256xf32> to vector<16x16x16x256xf32>
    %mul3A_256 = arith.mulf %get3A_249, %mul3A_255 : vector<16x16x16x256xf32>
    %add3A_257 = arith.addf %add3A_244, %mul3A_256 : vector<16x16x16x256xf32>
    %get3A_258 = arith.constant 2 : index
    %get3A_259 = arith.constant 0 : index
    %get3A_260 = arith.constant 2 : index
    %get3A_261 = arith.constant 0 : index
    %get3A_262 = vector.load %arg0[%get3A_258, %get3A_259, %get3A_260, %get3A_261] : memref<18x18x18x256xf32, #tpu.memory_space<vmem>>, vector<16x16x16x256xf32>
    %get3A_263 = arith.constant 20 : index
    %get3A_264 = arith.constant 0 : index
    %get3A_265 = vector.load %arg1[%get3A_263, %get3A_264] : memref<27x256xf32, #tpu.memory_space<vmem>>, vector<1x256xf32>
    %get3A_266 = vector.shape_cast %get3A_265 : vector<1x256xf32> to vector<256xf32>
    %broadcast_in_dim3A_267 = vector.shape_cast %get3A_266 : vector<256xf32> to vector<1x1x1x256xf32>
    %mul3A_268 = vector.broadcast %broadcast_in_dim3A_267 : vector<1x1x1x256xf32> to vector<16x16x16x256xf32>
    %mul3A_269 = arith.mulf %get3A_262, %mul3A_268 : vector<16x16x16x256xf32>
    %add3A_270 = arith.addf %add3A_257, %mul3A_269 : vector<16x16x16x256xf32>
    %get3A_271 = arith.constant 2 : index
    %get3A_272 = arith.constant 1 : index
    %get3A_273 = arith.constant 0 : index
    %get3A_274 = arith.constant 0 : index
    %get3A_275 = vector.load %arg0[%get3A_271, %get3A_272, %get3A_273, %get3A_274] : memref<18x18x18x256xf32, #tpu.memory_space<vmem>>, vector<16x16x16x256xf32>
    %get3A_276 = arith.constant 21 : index
    %get3A_277 = arith.constant 0 : index
    %get3A_278 = vector.load %arg1[%get3A_276, %get3A_277] : memref<27x256xf32, #tpu.memory_space<vmem>>, vector<1x256xf32>
    %get3A_279 = vector.shape_cast %get3A_278 : vector<1x256xf32> to vector<256xf32>
    %broadcast_in_dim3A_280 = vector.shape_cast %get3A_279 : vector<256xf32> to vector<1x1x1x256xf32>
    %mul3A_281 = vector.broadcast %broadcast_in_dim3A_280 : vector<1x1x1x256xf32> to vector<16x16x16x256xf32>
    %mul3A_282 = arith.mulf %get3A_275, %mul3A_281 : vector<16x16x16x256xf32>
    %add3A_283 = arith.addf %add3A_270, %mul3A_282 : vector<16x16x16x256xf32>
    %get3A_284 = arith.constant 2 : index
    %get3A_285 = arith.constant 1 : index
    %get3A_286 = arith.constant 1 : index
    %get3A_287 = arith.constant 0 : index
    %get3A_288 = vector.load %arg0[%get3A_284, %get3A_285, %get3A_286, %get3A_287] : memref<18x18x18x256xf32, #tpu.memory_space<vmem>>, vector<16x16x16x256xf32>
    %get3A_289 = arith.constant 22 : index
    %get3A_290 = arith.constant 0 : index
    %get3A_291 = vector.load %arg1[%get3A_289, %get3A_290] : memref<27x256xf32, #tpu.memory_space<vmem>>, vector<1x256xf32>
    %get3A_292 = vector.shape_cast %get3A_291 : vector<1x256xf32> to vector<256xf32>
    %broadcast_in_dim3A_293 = vector.shape_cast %get3A_292 : vector<256xf32> to vector<1x1x1x256xf32>
    %mul3A_294 = vector.broadcast %broadcast_in_dim3A_293 : vector<1x1x1x256xf32> to vector<16x16x16x256xf32>
    %mul3A_295 = arith.mulf %get3A_288, %mul3A_294 : vector<16x16x16x256xf32>
    %add3A_296 = arith.addf %add3A_283, %mul3A_295 : vector<16x16x16x256xf32>
    %get3A_297 = arith.constant 2 : index
    %get3A_298 = arith.constant 1 : index
    %get3A_299 = arith.constant 2 : index
    %get3A_300 = arith.constant 0 : index
    %get3A_301 = vector.load %arg0[%get3A_297, %get3A_298, %get3A_299, %get3A_300] : memref<18x18x18x256xf32, #tpu.memory_space<vmem>>, vector<16x16x16x256xf32>
    %get3A_302 = arith.constant 23 : index
    %get3A_303 = arith.constant 0 : index
    %get3A_304 = vector.load %arg1[%get3A_302, %get3A_303] : memref<27x256xf32, #tpu.memory_space<vmem>>, vector<1x256xf32>
    %get3A_305 = vector.shape_cast %get3A_304 : vector<1x256xf32> to vector<256xf32>
    %broadcast_in_dim3A_306 = vector.shape_cast %get3A_305 : vector<256xf32> to vector<1x1x1x256xf32>
    %mul3A_307 = vector.broadcast %broadcast_in_dim3A_306 : vector<1x1x1x256xf32> to vector<16x16x16x256xf32>
    %mul3A_308 = arith.mulf %get3A_301, %mul3A_307 : vector<16x16x16x256xf32>
    %add3A_309 = arith.addf %add3A_296, %mul3A_308 : vector<16x16x16x256xf32>
    %get3A_310 = arith.constant 2 : index
    %get3A_311 = arith.constant 2 : index
    %get3A_312 = arith.constant 0 : index
    %get3A_313 = arith.constant 0 : index
    %get3A_314 = vector.load %arg0[%get3A_310, %get3A_311, %get3A_312, %get3A_313] : memref<18x18x18x256xf32, #tpu.memory_space<vmem>>, vector<16x16x16x256xf32>
    %get3A_315 = arith.constant 24 : index
    %get3A_316 = arith.constant 0 : index
    %get3A_317 = vector.load %arg1[%get3A_315, %get3A_316] : memref<27x256xf32, #tpu.memory_space<vmem>>, vector<1x256xf32>
    %get3A_318 = vector.shape_cast %get3A_317 : vector<1x256xf32> to vector<256xf32>
    %broadcast_in_dim3A_319 = vector.shape_cast %get3A_318 : vector<256xf32> to vector<1x1x1x256xf32>
    %mul3A_320 = vector.broadcast %broadcast_in_dim3A_319 : vector<1x1x1x256xf32> to vector<16x16x16x256xf32>
    %mul3A_321 = arith.mulf %get3A_314, %mul3A_320 : vector<16x16x16x256xf32>
    %add3A_322 = arith.addf %add3A_309, %mul3A_321 : vector<16x16x16x256xf32>
    %get3A_323 = arith.constant 2 : index
    %get3A_324 = arith.constant 2 : index
    %get3A_325 = arith.constant 1 : index
    %get3A_326 = arith.constant 0 : index
    %get3A_327 = vector.load %arg0[%get3A_323, %get3A_324, %get3A_325, %get3A_326] : memref<18x18x18x256xf32, #tpu.memory_space<vmem>>, vector<16x16x16x256xf32>
    %get3A_328 = arith.constant 25 : index
    %get3A_329 = arith.constant 0 : index
    %get3A_330 = vector.load %arg1[%get3A_328, %get3A_329] : memref<27x256xf32, #tpu.memory_space<vmem>>, vector<1x256xf32>
    %get3A_331 = vector.shape_cast %get3A_330 : vector<1x256xf32> to vector<256xf32>
    %broadcast_in_dim3A_332 = vector.shape_cast %get3A_331 : vector<256xf32> to vector<1x1x1x256xf32>
    %mul3A_333 = vector.broadcast %broadcast_in_dim3A_332 : vector<1x1x1x256xf32> to vector<16x16x16x256xf32>
    %mul3A_334 = arith.mulf %get3A_327, %mul3A_333 : vector<16x16x16x256xf32>
    %add3A_335 = arith.addf %add3A_322, %mul3A_334 : vector<16x16x16x256xf32>
    %get3A_336 = arith.constant 2 : index
    %get3A_337 = arith.constant 2 : index
    %get3A_338 = arith.constant 2 : index
    %get3A_339 = arith.constant 0 : index
    %get3A_340 = vector.load %arg0[%get3A_336, %get3A_337, %get3A_338, %get3A_339] : memref<18x18x18x256xf32, #tpu.memory_space<vmem>>, vector<16x16x16x256xf32>
    %get3A_341 = arith.constant 26 : index
    %get3A_342 = arith.constant 0 : index
    %get3A_343 = vector.load %arg1[%get3A_341, %get3A_342] : memref<27x256xf32, #tpu.memory_space<vmem>>, vector<1x256xf32>
    %get3A_344 = vector.shape_cast %get3A_343 : vector<1x256xf32> to vector<256xf32>
    %broadcast_in_dim3A_345 = vector.shape_cast %get3A_344 : vector<256xf32> to vector<1x1x1x256xf32>
    %mul3A_346 = vector.broadcast %broadcast_in_dim3A_345 : vector<1x1x1x256xf32> to vector<16x16x16x256xf32>
    %mul3A_347 = arith.mulf %get3A_340, %mul3A_346 : vector<16x16x16x256xf32>
    %add3A_348 = arith.addf %add3A_335, %mul3A_347 : vector<16x16x16x256xf32>
    %get3A_349 = arith.constant 0 : index
    %get3A_350 = arith.constant 0 : index
    %get3A_351 = vector.load %arg2[%get3A_349, %get3A_350] : memref<1x256xf32, #tpu.memory_space<vmem>>, vector<1x256xf32>
    %get3A_352 = vector.shape_cast %get3A_351 : vector<1x256xf32> to vector<256xf32>
    %broadcast_in_dim3A_353 = vector.shape_cast %get3A_352 : vector<256xf32> to vector<1x1x1x256xf32>
    %add3A_354 = vector.broadcast %broadcast_in_dim3A_353 : vector<1x1x1x256xf32> to vector<16x16x16x256xf32>
    %add3A_355 = arith.addf %add3A_348, %add3A_354 : vector<16x16x16x256xf32>
    %swap3A = arith.constant 0 : index
    %swap3A_356 = arith.constant 0 : index
    %swap3A_357 = arith.constant 0 : index
    %swap3A_358 = arith.constant 0 : index
    %swap3A_359 = vector.load %arg3[%swap3A, %swap3A_356, %swap3A_357, %swap3A_358] : memref<16x16x16x256xf32, #tpu.memory_space<vmem>>, vector<16x16x16x256xf32>
    tpu.vector_store %arg3[%swap3A, %swap3A_356, %swap3A_357, %swap3A_358], %add3A_355 {strides = array<i32>} : memref<16x16x16x256xf32, #tpu.memory_space<vmem>>, vector<16x16x16x256xf32>,
    return
  }
}

module attributes {stable_mosaic.version = 14 : i64} {
  func.func @_c_kern(%arg0: i32, %arg1: memref<1x4096x8xf32, #tpu.memory_space<vmem>>, %arg2: memref<1x512x8xf32, #tpu.memory_space<vmem>>, %arg3: memref<1x512x8xf32, #tpu.memory_space<vmem>>, %arg4: memref<1x4096x8xf32, #tpu.memory_space<vmem>>) attributes {dimension_semantics = [#tpu.dimension_semantics<arbitrary>], iteration_bounds = array<i64: 32>, scalar_prefetch = 0 : i64, scratch_operands = 0 : i64, tpu.core_type = #tpu.core_type<tc>, window_params = [{transform_indices = @transform_0, window_bounds = array<i64: 1, 4096, 8>}, {transform_indices = @transform_1, window_bounds = array<i64: 1, 512, 8>}, {transform_indices = @transform_2, window_bounds = array<i64: 1, 512, 8>}, {transform_indices = @transform_3, window_bounds = array<i64: 1, 4096, 8>}]} {
    %get3A = arith.constant 0 : index
    %get3A_0 = arith.constant 0 : index
    %get3A_1 = arith.constant 0 : index
    %get3A_2 = vector.load %arg1[%get3A, %get3A_0, %get3A_1] : memref<1x4096x8xf32, #tpu.memory_space<vmem>>, vector<1x4096x8xf32>
    %get3A_3 = vector.shape_cast %get3A_2 : vector<1x4096x8xf32> to vector<4096x8xf32>
    %get3A_4 = arith.constant 0 : index
    %get3A_5 = arith.constant 0 : index
    %get3A_6 = arith.constant 0 : index
    %get3A_7 = vector.load %arg2[%get3A_4, %get3A_5, %get3A_6] : memref<1x512x8xf32, #tpu.memory_space<vmem>>, vector<1x512x8xf32>
    %get3A_8 = vector.shape_cast %get3A_7 : vector<1x512x8xf32> to vector<512x8xf32>
    %get3A_9 = arith.constant 0 : index
    %get3A_10 = arith.constant 0 : index
    %get3A_11 = arith.constant 0 : index
    %get3A_12 = vector.load %arg3[%get3A_9, %get3A_10, %get3A_11] : memref<1x512x8xf32, #tpu.memory_space<vmem>>, vector<1x512x8xf32>
    %get3A_13 = vector.shape_cast %get3A_12 : vector<1x512x8xf32> to vector<512x8xf32>
    %dot_general3A = arith.constant dense<0.000000e+00> : vector<4096x512xf32>
    %dot_general3A_14 = tpu.matmul %get3A_3, %get3A_8, %dot_general3A {dimension_numbers = #tpu.dot_dimension_numbers<[1], [1], [0], [0], [0, 0, 1, 0], [], []>, transpose_lhs_hint = false} : vector<4096x8xf32>, vector<512x8xf32>, vector<4096x512xf32> -> vector<4096x512xf32>
    %mul3A = arith.constant 0.353553385 : f32
    %mul3A_15 = vector.broadcast %mul3A : f32 to vector<4096x512xf32>
    %mul3A_16 = arith.mulf %dot_general3A_14, %mul3A_15 : vector<4096x512xf32>
    %reduce_max3A = arith.constant dense<0xFF800000> : vector<4096xf32>
    %reduce_max3A_17 = vector.multi_reduction <maximumf>, %mul3A_16, %reduce_max3A [1] : vector<4096x512xf32> to vector<4096xf32>
    %broadcast_in_dim3A = vector.shape_cast %reduce_max3A_17 : vector<4096xf32> to vector<4096x1xf32>
    %sub3A = vector.broadcast %broadcast_in_dim3A : vector<4096x1xf32> to vector<4096x512xf32>
    %sub3A_18 = arith.subf %mul3A_16, %sub3A : vector<4096x512xf32>
    %exp3A = math.exp %sub3A_18 : vector<4096x512xf32>
    %reduce_sum3A = arith.constant dense<0.000000e+00> : vector<4096xf32>
    %reduce_sum3A_19 = vector.multi_reduction <add>, %exp3A, %reduce_sum3A [1] : vector<4096x512xf32> to vector<4096xf32>
    %broadcast_in_dim3A_20 = vector.shape_cast %reduce_sum3A_19 : vector<4096xf32> to vector<4096x1xf32>
    %div3A = vector.broadcast %broadcast_in_dim3A_20 : vector<4096x1xf32> to vector<4096x512xf32>
    %div3A_21 = arith.divf %exp3A, %div3A : vector<4096x512xf32>
    %dot_general3A_22 = arith.constant dense<0.000000e+00> : vector<4096x8xf32>
    %dot_general3A_23 = tpu.matmul %div3A_21, %get3A_13, %dot_general3A_22 {dimension_numbers = #tpu.dot_dimension_numbers<[1], [0], [0], [1], [0, 0, 1, 1], [], []>, transpose_lhs_hint = false} : vector<4096x512xf32>, vector<512x8xf32>, vector<4096x8xf32> -> vector<4096x8xf32>
    %swap3A = arith.constant 0 : index
    %swap3A_24 = arith.constant 0 : index
    %swap3A_25 = arith.constant 0 : index
    %swap3A_26 = vector.load %arg4[%swap3A, %swap3A_24, %swap3A_25] : memref<1x4096x8xf32, #tpu.memory_space<vmem>>, vector<1x4096x8xf32>
    %swap3A_27 = vector.shape_cast %swap3A_26 : vector<1x4096x8xf32> to vector<4096x8xf32>
    %swap3A_28 = vector.shape_cast %dot_general3A_23 : vector<4096x8xf32> to vector<1x4096x8xf32>
    tpu.vector_store %arg4[%swap3A, %swap3A_24, %swap3A_25], %swap3A_28 {strides = array<i32>} : memref<1x4096x8xf32, #tpu.memory_space<vmem>>, vector<1x4096x8xf32>,
    return
  }
  func.func @transform_0(%arg0: i32) -> (i32, i32, i32) {
    %c0_i32 = arith.constant 0 : i32
    %c0_i32_0 = arith.constant 0 : i32
    %c0_i32_1 = arith.constant 0 : i32
    return %arg0, %c0_i32, %c0_i32_0 : i32, i32, i32
  }
  func.func @transform_1(%arg0: i32) -> (i32, i32, i32) {
    %c0_i32 = arith.constant 0 : i32
    %c0_i32_0 = arith.constant 0 : i32
    %c0_i32_1 = arith.constant 0 : i32
    return %arg0, %c0_i32, %c0_i32_0 : i32, i32, i32
  }
  func.func @transform_2(%arg0: i32) -> (i32, i32, i32) {
    %c0_i32 = arith.constant 0 : i32
    %c0_i32_0 = arith.constant 0 : i32
    %c0_i32_1 = arith.constant 0 : i32
    return %arg0, %c0_i32, %c0_i32_0 : i32, i32, i32
  }
  func.func @transform_3(%arg0: i32) -> (i32, i32, i32) {
    %c0_i32 = arith.constant 0 : i32
    %c0_i32_0 = arith.constant 0 : i32
    %c0_i32_1 = arith.constant 0 : i32
    return %arg0, %c0_i32, %c0_i32_0 : i32, i32, i32
  }
}

module attributes {stable_mosaic.version = 14 : i64} {
  func.func @_e_kern(%arg0: memref<4096x256xf32, #tpu.memory_space<vmem>>, %arg1: memref<4096x256xf32, #tpu.memory_space<vmem>>, %arg2: memref<256x256xf32, #tpu.memory_space<vmem>>, %arg3: memref<256x256xf32, #tpu.memory_space<vmem>>, %arg4: memref<1x256xf32, #tpu.memory_space<vmem>>, %arg5: memref<4096x256xf32, #tpu.memory_space<vmem>>) attributes {dimension_semantics = [], scalar_prefetch = 0 : i64, scratch_operands = 0 : i64, tpu.core_type = #tpu.core_type<tc>} {
    %get3A = arith.constant 0 : index
    %get3A_0 = arith.constant 0 : index
    %get3A_1 = vector.load %arg0[%get3A, %get3A_0] : memref<4096x256xf32, #tpu.memory_space<vmem>>, vector<4096x256xf32>
    %get3A_2 = arith.constant 0 : index
    %get3A_3 = arith.constant 0 : index
    %get3A_4 = vector.load %arg2[%get3A_2, %get3A_3] : memref<256x256xf32, #tpu.memory_space<vmem>>, vector<256x256xf32>
    %dot_general3A = arith.constant dense<0.000000e+00> : vector<4096x256xf32>
    %dot_general3A_5 = tpu.matmul %get3A_1, %get3A_4, %dot_general3A {dimension_numbers = #tpu.dot_dimension_numbers<[1], [0], [0], [1], [0, 0, 1, 1], [], []>, transpose_lhs_hint = false} : vector<4096x256xf32>, vector<256x256xf32>, vector<4096x256xf32> -> vector<4096x256xf32>
    %get3A_6 = arith.constant 0 : index
    %get3A_7 = arith.constant 0 : index
    %get3A_8 = vector.load %arg1[%get3A_6, %get3A_7] : memref<4096x256xf32, #tpu.memory_space<vmem>>, vector<4096x256xf32>
    %get3A_9 = arith.constant 0 : index
    %get3A_10 = arith.constant 0 : index
    %get3A_11 = vector.load %arg3[%get3A_9, %get3A_10] : memref<256x256xf32, #tpu.memory_space<vmem>>, vector<256x256xf32>
    %dot_general3A_12 = arith.constant dense<0.000000e+00> : vector<4096x256xf32>
    %dot_general3A_13 = tpu.matmul %get3A_8, %get3A_11, %dot_general3A_12 {dimension_numbers = #tpu.dot_dimension_numbers<[1], [0], [0], [1], [0, 0, 1, 1], [], []>, transpose_lhs_hint = false} : vector<4096x256xf32>, vector<256x256xf32>, vector<4096x256xf32> -> vector<4096x256xf32>
    %add3A = arith.addf %dot_general3A_5, %dot_general3A_13 : vector<4096x256xf32>
    %get3A_14 = arith.constant 0 : index
    %get3A_15 = arith.constant 0 : index
    %get3A_16 = vector.load %arg4[%get3A_14, %get3A_15] : memref<1x256xf32, #tpu.memory_space<vmem>>, vector<1x256xf32>
    %get3A_17 = vector.shape_cast %get3A_16 : vector<1x256xf32> to vector<256xf32>
    %broadcast_in_dim3A = vector.shape_cast %get3A_17 : vector<256xf32> to vector<1x256xf32>
    %add3A_18 = vector.broadcast %broadcast_in_dim3A : vector<1x256xf32> to vector<4096x256xf32>
    %add3A_19 = arith.addf %add3A, %add3A_18 : vector<4096x256xf32>
    %swap3A = arith.constant 0 : index
    %swap3A_20 = arith.constant 0 : index
    %swap3A_21 = vector.load %arg5[%swap3A, %swap3A_20] : memref<4096x256xf32, #tpu.memory_space<vmem>>, vector<4096x256xf32>
    tpu.vector_store %arg5[%swap3A, %swap3A_20], %add3A_19 {strides = array<i32>} : memref<4096x256xf32, #tpu.memory_space<vmem>>, vector<4096x256xf32>,
    return
  }
}

</mosaic_0001>

<sc_bundles>
// kernel: kernel.8.cloned.1.call-start
scs
__scs_entry_jumppad:
0x0: {  	(pc) =	sbr.rel $0x88, $3  }
0x1: {  	(tag) =	ssettag $0x0;
	lr =	simm.s32 $0x1  }
0x2: {  	[smem:$0x3F98] =	sst lr;
	_ =	strace $0xD0000000  }
0x3: {  	_ = 	snop  }
0x4: {  	_ = 	snop  }
0x5: {  	_ = 	snop  }
0x6: {  	_ = 	snop  }
0x7: {  	_ = 	snop  }
__scs_overlays_trampoline_lowered:
0x8: {  	[smem:$0x3FA7] =	sst s0  }
0x9: {  	[smem:$0x3FA8] =	sst s1  }
0xa: {  	[smem:$0x3FA9] =	sst s2  }
0xb: {  	[smem:$0x3FAA] =	sst s3  }
0xc: {  	[smem:$0x3FAB] =	sst s4  }
0xd: {  	[smem:$0x3FAC] =	sst s5  }
0xe: {  	[smem:$0x3FAD] =	sst s6  }
0xf: {  	[smem:$0x3FAE] =	sst s7  }
0x10: {  	[smem:$0x3FAF] =	sst s8  }
0x11: {  	[smem:$0x3FB0] =	sst s9;
	s0 =	simm.s32 @!p0 $0x0  }
0x12: {  	s1 =	sld [smem:$0x3F96];
	s0 =	simm.s32 @p0 $0x1  }
0x13: {  	[smem:$0x3FB1] =	sst s0;
	s0 =	simm.s32 @!p1 $0x0  }
0x14: {  	s2 =	sld [smem:$0x3F95];
	s0 =	simm.s32 @p1 $0x1  }
0x15: {  	[smem:$0x3FB2] =	sst s0;
	s0 =	simm.s32 @!p2 $0x0  }
0x16: {  	s3 =	sld [smem:$0x3FDB];
	s0 =	simm.s32 @p2 $0x1  }
0x17: {  	s4 =	simm.s32 $0x1BF5;
	[smem:$0x3FB4] =	sst s0  }
0x18: {  	s0 =	sld [smem:$0x3F97];
	_ =	swait.ge [sflag:s4], $0x0  }
0x19: {  	s7 =	sld [smem:$0x3F98]  }
0x1a: {  	s8 =	sadd.s32 $0xFFFFE003, lr  }
0x1b: {  	s9 =	sadd.s32 $0xFFFFFEF7, lr;
	s5 =	simm.s32 $0xFFFFFFFF;
	p2 =	slt.u32 s8, $0xFFFFF086  }
0x1c: {  	p1 =	slt.u32 s9, $0xF7A;
	s5 =	simm.s32 @!p2 $0x0  }
0x1d: {  	s5 =	simm.s32 @p1 $0x1;
	p0 =	seq.s32 s7, s2  }
0x1e: {  	s7 =	smul.u32 @!p0 $0xF7A, s2;
	p2 =	seq.s32 @!p0 s5, $0x0  }
0x1f: {  	s9 =	smul.u32 $0xF7A, s1;
	s8 =	simm.s32 @!p0 $0x1BF5;
	p2 =	por !p2, p0  }
0x20: {  	[sflag:s8] =	ssyncset.s32 @!p0 $0xFFFFF086;
	s6 =	sadd.s32 @!p0 s3, s7;
	s7 =	simm.s32 @!p0 $0x108  }
0x21: {  	s3 =	sadd.s32 s3, s9;
	s6 =	sadd.s32 @!p0 $0x88, s6;
	s7 =	simm.s32 @p2 $0x1082  }
0x22: {  	[simem:s7], [sflag:s8] =	dma.local @!p0 [hbm:s6], $0xF7A  }
0x23: {  	s9 =	sor.u32 $0xD0000000, s2;
	s6 =	simm.s32 $0x108;
	_ =	swait.ge @!p0 [sflag:s8], $0x0  }
0x24: {  	s3 =	sadd.s32 $0x88, s3;
	s6 =	simm.s32 @!p1 $0x1082;
	[sflag:s4] =	ssyncset.s32 $0xFFFFF086  }
0x25: {  	[simem:s6], [sflag:s4] =	dma.local [hbm:s3], $0xF7A  }
0x26: {  	[smem:$0x3F98] =	sst s1;
	(tag) =	ssettag s2;
	_ =	strace s9  }
0x27: {  	s1 =	sld [smem:$0x3FA8]  }
0x28: {  	s2 =	sld [smem:$0x3FA9]  }
0x29: {  	s4 =	sld [smem:$0x3FAB]  }
0x2a: {  	p0 =	seq.s32 s5, $0x0;
	s5 =	sld [smem:$0x3FAC]  }
0x2b: {  	s6 =	sld [smem:$0x3FAD]  }
0x2c: {  	s7 =	sld [smem:$0x3FAE]  }
0x2d: {  	s3 =	simm.s32 $0x108;
	s8 =	sld [smem:$0x3FAF]  }
0x2e: {  	s3 =	simm.s32 @!p0 $0x1082;
	s9 =	sld [smem:$0x3FB0]  }
0x2f: {  	lr =	sadd.s32 s0, s3;
	s0 =	sld [smem:$0x3FA7]  }
0x30: {  	s3 =	sld [smem:$0x3FAA]  }
0x31: {  	[smem:$0x3FB3] =	sst s10  }
0x32: {  	s10 =	sld [smem:$0x3FB1];
	_ =	sdelay $0x3  }
0x33: {  	p0 =	seq.s32 s10, $0x1;
	s10 =	sld [smem:$0x3FB3];
	_ =	sdelay $0x3  }
0x34: {  	[smem:$0x3FB3] =	sst s10  }
0x35: {  	s10 =	sld [smem:$0x3FB2];
	_ =	sdelay $0x3  }
0x36: {  	p1 =	seq.s32 s10, $0x1;
	s10 =	sld [smem:$0x3FB3];
	_ =	sdelay $0x3  }
0x37: {  	[smem:$0x3FB3] =	sst s10  }
0x38: {  	s10 =	sld [smem:$0x3FB4]  }
0x39: {  	_ = 	snop;
	(pc) =	sbr.ind lr, $3  }
0x3a: {  	_ = 	snop  }
0x3b: {  	_ = 	snop  }
0x3c: {  	p2 =	seq.s32 s10, $0x1;
	s10 =	sld [smem:$0x3FB3]  }
0x3d: {  	_ =	shalt  }
0x3e: {  	_ =	shalt  }
0x3f: {  	_ =	shalt  }
0x40: {  	_ =	shalt  }
0x41: {  	_ =	shalt  }
0x42: {  	_ =	shalt  }
0x43: {  	_ =	shalt  }
0x44: {  	_ =	shalt  }
0x45: {  	_ =	shalt  }
0x46: {  	_ =	shalt  }
0x47: {  	_ =	shalt  }
0x48: {  	_ =	shalt  }
0x49: {  	_ =	shalt  }
0x4a: {  	_ =	shalt  }
0x4b: {  	_ =	shalt  }
0x4c: {  	_ =	shalt  }
0x4d: {  	_ =	shalt  }
0x4e: {  	_ =	shalt  }
0x4f: {  	_ =	shalt  }
0x50: {  	_ =	shalt  }
0x51: {  	_ =	shalt  }
0x52: {  	_ =	shalt  }
0x53: {  	_ =	shalt  }
0x54: {  	_ =	shalt  }
0x55: {  	_ =	shalt  }
0x56: {  	_ =	shalt  }
0x57: {  	_ =	shalt  }
0x58: {  	_ =	shalt  }
0x59: {  	_ =	shalt  }
0x5a: {  	_ =	shalt  }
0x5b: {  	_ =	shalt  }
0x5c: {  	_ =	shalt  }
0x5d: {  	_ =	shalt  }
0x5e: {  	_ =	shalt  }
0x5f: {  	_ =	shalt  }
0x60: {  	_ =	shalt  }
0x61: {  	_ =	shalt  }
0x62: {  	_ =	shalt  }
0x63: {  	_ =	shalt  }
0x64: {  	_ =	shalt  }
0x65: {  	_ =	shalt  }
0x66: {  	_ =	shalt  }
0x67: {  	_ =	shalt  }
0x68: {  	_ =	shalt  }
0x69: {  	_ =	shalt  }
0x6a: {  	_ =	shalt  }
0x6b: {  	_ =	shalt  }
0x6c: {  	_ =	shalt  }
0x6d: {  	_ =	shalt  }
0x6e: {  	_ =	shalt  }
0x6f: {  	_ =	shalt  }
0x70: {  	_ =	shalt  }
0x71: {  	_ =	shalt  }
0x72: {  	_ =	shalt  }
0x73: {  	_ =	shalt  }
0x74: {  	_ =	shalt  }
0x75: {  	_ =	shalt  }
0x76: {  	_ =	shalt  }
0x77: {  	_ =	shalt  }
0x78: {  	_ =	shalt  }
0x79: {  	_ =	shalt  }
0x7a: {  	_ =	shalt  }
0x7b: {  	_ =	shalt  }
0x7c: {  	_ =	shalt  }
0x7d: {  	_ =	shalt  }
0x7e: {  	_ =	shalt  }
0x7f: {  	_ =	shalt  }
0x80: {  	_ =	shalt  }
0x81: {  	_ =	shalt  }
0x82: {  	_ =	shalt  }
0x83: {  	_ =	shalt  }
0x84: {  	_ =	shalt  }
0x85: {  	_ =	shalt  }
0x86: {  	_ =	shalt  }
0x87: {  	_ =	shalt  }
.Lfunc_end0:
.L_simem_size_0:
called_computation_lowered:
.L_overlay_start_0:
0x88: {  	s2 =	sld [smem:$0x3FD9]  }
0x89: {  	s3 =	sld [smem:$0x3FFE];
	_ =	sdelay $0x1  }
0x8a: {  	s1 =	srdreg.scid  }
0x8b: {  	s0 =	sand.u32 $0x1, s1  }
0x8c: {  	s17 =	sshll.u32 s0, $0xA;
	s2 =	sadd.s32 s3, s2  }
0x8d: {  	s2 =	sadd.s32 s2, s17  }
0x8e: {  	[smem:$0x3FBF] =	sst s2  }
0x8f: {  	_ = 	snop  }
0x90: {  	s2 =	sld [smem:$0x3FD0];
	(tm) =	ssettm $0x1  }
0x91: {  	s18 =	sld [smem:$0x3FFB];
	_ =	sdelay $0x3  }
0x92: {  	_ =	strace s18  }
0x93: {  	s3 =	sld [smem:$0x3FFC];
	_ =	sdelay $0x3  }
0x94: {  	_ =	strace s3  }
0x95: {  	s3 =	sld [smem:$0x3FFD];
	_ =	sdelay $0x3  }
0x96: {  	_ =	strace s3  }
0x97: {  	_ =	strace $0x8FFFFFFF  }
0x98: {  	s19 =	sld [smem:$0x3FDB];
	_ =	sdelay $0x1  }
0x99: {  	s4 =	simm.s32 $_scs_section_size  }
0x9a: {  	s5 =	simm.s32 $_size__tile_overlayer_lowered;
	s6 =	simm.s32 $_tile_overlayer_lowered  }
0x9b: {  	s22 =	simm.s32 $0x1BFF;
	s21 =	sshll.u32 s6, $0x1;
	s3 =	sadd.s32 s4, s19  }
0x9c: {  	s7 =	simm.s32 $0x0;
	s20 =	sshll.u32 s5, $0x1;
	s5 =	sadd.s32 s21, s3  }
0x9d: {  	[timem:s7], [sflag:s22] =	dma.local [hbm:s5], s20  }
0x9e: {  	_ =	swait.ge [sflag:s22], s20  }
0x9f: {  	s4 =	ssub.s32 $0x0, s20;
	[sflag:s22] =	ssyncset.done $0x0  }
0xa0: {  	[sflag:s22] =	ssyncadd.s32 s4;
	_ =	sdelay $0x1  }
0xa1: {  	s23 =	simm.s32 $0x1B8B  }
0xa2: {  	_ =	swait.ge [sflag:s23], $0x1  }
0xa3: {  	[sflag:s23] =	ssyncset.done $0x0  }
0xa4: {  	s25 =	simm.s32 $0x1B8E;
	s24 =	sld [smem:$0x3FFE];
	[sflag:s23] =	ssyncadd.s32 $0xFFFFFFFF  }
0xa5: {  	s26 =	simm.s32 $execute0_lowered;
	[smem:$0x3FD2] =	sst s25  }
0xa6: {  	s5 =	sshll.u32 s26, $0x1;
	_ =	strace $0x80000046;
	[dreg:$0x1] =	wrdreg $0xFFFFFFFF  }
0xa7: {  	s28 =	simm.s32 $_size_execute0_lowered;
	s3 =	sadd.s32 s3, s5;
	[dreg:$0x0] =	wrdreg $0x0  }
0xa8: {  	s5 =	sshll.u32 s28, $0x1;
	[dreg:$0x2] =	wrdreg s3  }
0xa9: {  	[dreg:$0x3] =	wrdreg s5  }
0xaa: {  	[dreg:$0x4] =	wrdreg $0xC0  }
0xab: {  	_ =	task [dreg:s7], $0x5FFFF  }
0xac: {  	[dreg:$0x1] =	wrdreg $0xFFFFFFFF  }
0xad: {  	[dreg:$0x0] =	wrdreg $0x60  }
0xae: {  	[dreg:$0x2] =	wrdreg s24  }
0xaf: {  	[dreg:$0x3] =	wrdreg s2  }
0xb0: {  	[dreg:$0x4] =	wrdreg $0x9  }
0xb1: {  	_ =	task.clear_ibuf [dreg:s7], $0x5FFFF;
	_ =	strace $0x90000046  }
0xb2: {  	s29 =	simm.s32 $0x9;
	_ =	strace $0x80000048  }
0xb3: {  	_ =	swait.ge [sflag:s29], $0x1  }
0xb4: {  	[sflag:s29] =	ssyncadd.s32 $0xFFFFFFFF  }
0xb5: {  	_ =	strace $0x90000048  }
0xb6: {  	_ =	sfence  }
0xb7: {  	s30 =	sld [smem:$0x0];
	_ =	sdelay $0x2  }
0xb8: {  	s31 =	sshll.u32 s1, $0xD;
	s1 =	sshrl.u32 s1, $0x2  }
0xb9: {  	s3 =	sand.u32 $0x4000, s31;
	s1 =	sadd.s32 s1, s30  }
0xba: {  	s0 =	sor.u32 s3, s0;
	s1 =	sshll.u32 s1, $0x11  }
0xbb: {  	s0 =	sor.u32 s1, s0  }
0xbc: {  	s0 =	sadd.s32 $0x8F2B, s0  }
0xbd: {  	[sflag:s0] =	ssyncadd.remote.s32 $0x1  }
0xbe: {  	_ =	sfence.sel $0xFFFF  }
0xbf: {  	[dreg:$0x0] =	wrdreg $0xFFFFFFFF;
	(pc) =	sbr.abs _section_cstart, $3  }
0xc0: {  	[dreg:$0x1] =	wrdreg $0xFFFFFFFF  }
0xc1: {  	_ =	task.clear_ibuf [dreg:s7], $0x2FFFF;
	_ =	strace $0x9FFFFFFF  }
0xc2: {  	(tm) =	ssettm $0x7FFFFFFF  }
0xc3: {  	_ =	shalt  }
tec
execute0_lowered:
.L_overlay_start_1:
0x0: {  	(tag) =	ssettag $0x1  }
0x1: {  	s1 =	srdreg.scid  }
0x2: {  	s2 =	stileid.u32;
	s1 =	sand.u32 $0x1, s1  }
0x3: {  	s2 =	sor.u32 s2, s1  }
0x4: {  	p0 =	sne.s32 s2, $0x0  }
.Ltmp0:
0x5: {  	_ = 	snop;
	(pc) =	sbr.rel @p0 .LBB2_3-.Ltmp0, $4  }
0x6: {  	_ = 	snop  }
0x7: {  	s3 =	simm.s32 $0x0  }
0x8: {  	[smem:$0x7FF] =	sst s3  }
0x9: {  	s0 =	rddreg [dreg:$0x0];
	_ =	strace $0x80000047  }
0xa: {  	s2 =	sadd.s32 $0x40400, s0  }
0xb: {  	s4 =	sadd.s32 $0x400, s0;
	s6 =	rddreg [dreg:$0x1];
	s1 =	ssub.s32 $0x2, s1  }
0xc: {  	s7 =	simm.s32 $0x1;
	[dreg:$0x3] =	wrdreg s2;
	s29 =	sadd.s32 $0x2000, s6  }
0xd: {  	s23 =	simm.s32 $0x200;
	v2 =	vlaneseq.u32;
	s30 =	sadd.s32 $0x4000, s6;
	[dreg:$0x4] =	wrdreg s29  }
0xe: {  	vm0 =	vmmov $0xffff;
	s5 =	sshrl.u32 s1, $0x1;
	s31 =	sadd.s32 $0x6000, s6;
	v1 =	vshrl.u32 v2, $0x3;
	[dreg:$0x5] =	wrdreg s30  }
0xf: {  	s6 =	sadd.s32 $0x500, s0;
	v0 =	vand.u32 $0x7, v2;
	v2 =	vor.u32 $0x8, v2;
	s5 =	ssub.s32 s1, s5;
	[dreg:$0x6] =	wrdreg s31;
	v1 =	vmul.u32 $0x8, v1  }
.LBB2_2:
0x10: {  	s15 =	rddreg [dreg:$0x3]  }
0x11: {  	[tilespmem:s3], [sflag:$0x1] =	stream.linear.gather [hbm4b:s15+s3], $0x200, $0x38;
	[tilespmem:$0x10200] =	vst v63  }
0x12: {  	_ =	swait.ge [sflag:s7], $0x200  }
0x13: {  	[sflag:s7] =	ssyncset.done $0x0  }
0x14: {  	[sflag:s7] =	ssyncadd.s32 $0xFFFFFE00  }
0x15: {  	v3 =	vld [tilespmem:$0x0];
	_ =	sdelay $0x4  }
0x16: {  	v4 =	vshll.u32 v3, $0x2  }
0x17: {  	v3 =	vand.u32 $0x7, v3;
	v4 =	vand.u32 $0xFFFFFFE0, v4  }
0x18: {  	v3 =	vor.u32 v3, v4  }
0x19: {  	v4 =	vperm.xlane v3, v0;
	_ =	sdelay $0x1  }
0x1a: {  	v4 =	vadd.s32 v1, v4;
	_ =	sdelay $0x1  }
0x1b: {  	v3 =	vperm.xlane v3, v2;
	_ =	sdelay $0x1  }
0x1c: {  	v3 =	vadd.s32 v1, v3  }
0x1d: {  	[tilespmem:s23], [sflag:$0x1] =	stream.indirect_vreg.gather [hbm4b:s4+s3], $0x80, v4, vm0, $0xb8;
	[tilespmem:$0x10200] =	vst v63  }
0x1e: {  	s0 =	simm.s32 $0xA00  }
0x1f: {  	[tilespmem:s0], [sflag:$0x1] =	stream.indirect_vreg.gather [hbm4b:s6+s3], $0x80, v4, vm0, $0xb8;
	[tilespmem:$0x10200] =	vst v63  }
0x20: {  	s9 =	simm.s32 $0x1200  }
0x21: {  	[tilespmem:s9], [sflag:$0x1] =	stream.indirect_vreg.gather [hbm4b:s4+s3], $0x80, v3, vm0, $0xb8;
	[tilespmem:$0x10200] =	vst v63  }
0x22: {  	s10 =	simm.s32 $0x1A00  }
0x23: {  	[tilespmem:s10], [sflag:$0x1] =	stream.indirect_vreg.gather [hbm4b:s6+s3], $0x80, v3, vm0, $0xb8;
	[tilespmem:$0x10200] =	vst v63  }
0x24: {  	v3 =	vld [tilespmem:$0x10];
	_ =	sdelay $0x4  }
0x25: {  	v33 =	vshll.u32 v3, $0x2  }
0x26: {  	v3 =	vand.u32 $0x7, v3;
	v4 =	vand.u32 $0xFFFFFFE0, v33  }
0x27: {  	v3 =	vor.u32 v3, v4  }
0x28: {  	v4 =	vperm.xlane v3, v0;
	_ =	sdelay $0x1  }
0x29: {  	v4 =	vadd.s32 v1, v4;
	_ =	sdelay $0x1  }
0x2a: {  	v3 =	vperm.xlane v3, v2;
	_ =	sdelay $0x1  }
0x2b: {  	s11 =	simm.s32 $0x2200;
	v3 =	vadd.s32 v1, v3  }
0x2c: {  	[tilespmem:s11], [sflag:$0x1] =	stream.indirect_vreg.gather [hbm4b:s4+s3], $0x80, v4, vm0, $0xb8;
	[tilespmem:$0x10200] =	vst v63  }
0x2d: {  	s12 =	simm.s32 $0x2A00  }
0x2e: {  	[tilespmem:s12], [sflag:$0x1] =	stream.indirect_vreg.gather [hbm4b:s6+s3], $0x80, v4, vm0, $0xb8;
	[tilespmem:$0x10200] =	vst v63  }
0x2f: {  	s13 =	simm.s32 $0x3200  }
0x30: {  	[tilespmem:s13], [sflag:$0x1] =	stream.indirect_vreg.gather [hbm4b:s4+s3], $0x80, v3, vm0, $0xb8;
	[tilespmem:$0x10200] =	vst v63  }
0x31: {  	s14 =	simm.s32 $0x3A00  }
0x32: {  	[tilespmem:s14], [sflag:$0x1] =	stream.indirect_vreg.gather [hbm4b:s6+s3], $0x80, v3, vm0, $0xb8;
	[tilespmem:$0x10200] =	vst v63  }
0x33: {  	v3 =	vld [tilespmem:$0x20];
	_ =	sdelay $0x4  }
0x34: {  	v34 =	vshll.u32 v3, $0x2  }
0x35: {  	v3 =	vand.u32 $0x7, v3;
	v4 =	vand.u32 $0xFFFFFFE0, v34  }
0x36: {  	v3 =	vor.u32 v3, v4  }
0x37: {  	v4 =	vperm.xlane v3, v0;
	_ =	sdelay $0x1  }
0x38: {  	v4 =	vadd.s32 v1, v4;
	_ =	sdelay $0x1  }
0x39: {  	v3 =	vperm.xlane v3, v2;
	_ =	sdelay $0x1  }
0x3a: {  	s15 =	simm.s32 $0x4200;
	v3 =	vadd.s32 v1, v3  }
0x3b: {  	[tilespmem:s15], [sflag:$0x1] =	stream.indirect_vreg.gather [hbm4b:s4+s3], $0x80, v4, vm0, $0xb8;
	[tilespmem:$0x10200] =	vst v63  }
0x3c: {  	s16 =	simm.s32 $0x4A00  }
0x3d: {  	[tilespmem:s16], [sflag:$0x1] =	stream.indirect_vreg.gather [hbm4b:s6+s3], $0x80, v4, vm0, $0xb8;
	[tilespmem:$0x10200] =	vst v63  }
0x3e: {  	s17 =	simm.s32 $0x5200  }
0x3f: {  	[tilespmem:s17], [sflag:$0x1] =	stream.indirect_vreg.gather [hbm4b:s4+s3], $0x80, v3, vm0, $0xb8;
	[tilespmem:$0x10200] =	vst v63  }
0x40: {  	s18 =	simm.s32 $0x5A00  }
0x41: {  	[tilespmem:s18], [sflag:$0x1] =	stream.indirect_vreg.gather [hbm4b:s6+s3], $0x80, v3, vm0, $0xb8;
	[tilespmem:$0x10200] =	vst v63  }
0x42: {  	v3 =	vld [tilespmem:$0x30];
	_ =	sdelay $0x4  }
0x43: {  	v35 =	vshll.u32 v3, $0x2  }
0x44: {  	v3 =	vand.u32 $0x7, v3;
	v4 =	vand.u32 $0xFFFFFFE0, v35  }
0x45: {  	v3 =	vor.u32 v3, v4  }
0x46: {  	v4 =	vperm.xlane v3, v0;
	_ =	sdelay $0x1  }
0x47: {  	v4 =	vadd.s32 v1, v4;
	_ =	sdelay $0x1  }
0x48: {  	v3 =	vperm.xlane v3, v2;
	_ =	sdelay $0x1  }
0x49: {  	s19 =	simm.s32 $0x6200;
	v3 =	vadd.s32 v1, v3  }
0x4a: {  	[tilespmem:s19], [sflag:$0x1] =	stream.indirect_vreg.gather [hbm4b:s4+s3], $0x80, v4, vm0, $0xb8;
	[tilespmem:$0x10200] =	vst v63  }
0x4b: {  	s20 =	simm.s32 $0x6A00  }
0x4c: {  	[tilespmem:s20], [sflag:$0x1] =	stream.indirect_vreg.gather [hbm4b:s6+s3], $0x80, v4, vm0, $0xb8;
	[tilespmem:$0x10200] =	vst v63  }
0x4d: {  	s21 =	simm.s32 $0x7200  }
0x4e: {  	[tilespmem:s21], [sflag:$0x1] =	stream.indirect_vreg.gather [hbm4b:s4+s3], $0x80, v3, vm0, $0xb8;
	[tilespmem:$0x10200] =	vst v63  }
0x4f: {  	s22 =	simm.s32 $0x7A00  }
0x50: {  	[tilespmem:s22], [sflag:$0x1] =	stream.indirect_vreg.gather [hbm4b:s6+s3], $0x80, v3, vm0, $0xb8;
	[tilespmem:$0x10200] =	vst v63  }
0x51: {  	v3 =	vld [tilespmem:$0x40];
	_ =	sdelay $0x4  }
0x52: {  	v36 =	vshll.u32 v3, $0x2  }
0x53: {  	v3 =	vand.u32 $0x7, v3;
	v4 =	vand.u32 $0xFFFFFFE0, v36  }
0x54: {  	v3 =	vor.u32 v3, v4  }
0x55: {  	v4 =	vperm.xlane v3, v0;
	_ =	sdelay $0x1  }
0x56: {  	v4 =	vadd.s32 v1, v4;
	_ =	sdelay $0x1  }
0x57: {  	v3 =	vperm.xlane v3, v2;
	_ =	sdelay $0x1  }
0x58: {  	s24 =	simm.s32 $0x8200;
	v3 =	vadd.s32 v1, v3  }
0x59: {  	[tilespmem:s24], [sflag:$0x1] =	stream.indirect_vreg.gather [hbm4b:s4+s3], $0x80, v4, vm0, $0xb8;
	[tilespmem:$0x10200] =	vst v63  }
0x5a: {  	s25 =	simm.s32 $0x8A00  }
0x5b: {  	[tilespmem:s25], [sflag:$0x1] =	stream.indirect_vreg.gather [hbm4b:s6+s3], $0x80, v4, vm0, $0xb8;
	[tilespmem:$0x10200] =	vst v63  }
0x5c: {  	s26 =	simm.s32 $0x9200  }
0x5d: {  	[tilespmem:s26], [sflag:$0x1] =	stream.indirect_vreg.gather [hbm4b:s4+s3], $0x80, v3, vm0, $0xb8;
	[tilespmem:$0x10200] =	vst v63  }
0x5e: {  	s28 =	simm.s32 $0x9A00  }
0x5f: {  	[tilespmem:s28], [sflag:$0x1] =	stream.indirect_vreg.gather [hbm4b:s6+s3], $0x80, v3, vm0, $0xb8;
	[tilespmem:$0x10200] =	vst v63  }
0x60: {  	v3 =	vld [tilespmem:$0x50];
	_ =	sdelay $0x4  }
0x61: {  	v37 =	vshll.u32 v3, $0x2  }
0x62: {  	v3 =	vand.u32 $0x7, v3;
	v4 =	vand.u32 $0xFFFFFFE0, v37  }
0x63: {  	v3 =	vor.u32 v3, v4  }
0x64: {  	v4 =	vperm.xlane v3, v0;
	_ =	sdelay $0x1  }
0x65: {  	v4 =	vadd.s32 v1, v4;
	_ =	sdelay $0x1  }
0x66: {  	v3 =	vperm.xlane v3, v2;
	_ =	sdelay $0x1  }
0x67: {  	s29 =	simm.s32 $0xA200;
	v3 =	vadd.s32 v1, v3  }
0x68: {  	[tilespmem:s29], [sflag:$0x1] =	stream.indirect_vreg.gather [hbm4b:s4+s3], $0x80, v4, vm0, $0xb8;
	[tilespmem:$0x10200] =	vst v63  }
0x69: {  	s30 =	simm.s32 $0xAA00  }
0x6a: {  	[tilespmem:s30], [sflag:$0x1] =	stream.indirect_vreg.gather [hbm4b:s6+s3], $0x80, v4, vm0, $0xb8;
	[tilespmem:$0x10200] =	vst v63  }
0x6b: {  	s31 =	simm.s32 $0xB200  }
0x6c: {  	[tilespmem:s31], [sflag:$0x1] =	stream.indirect_vreg.gather [hbm4b:s4+s3], $0x80, v3, vm0, $0xb8;
	[tilespmem:$0x10200] =	vst v63  }
0x6d: {  	s12 =	simm.s32 $0xBA00  }
0x6e: {  	[tilespmem:s12], [sflag:$0x1] =	stream.indirect_vreg.gather [hbm4b:s6+s3], $0x80, v3, vm0, $0xb8;
	[tilespmem:$0x10200] =	vst v63  }
0x6f: {  	v3 =	vld [tilespmem:$0x60];
	_ =	sdelay $0x4  }
0x70: {  	v38 =	vshll.u32 v3, $0x2  }
0x71: {  	v3 =	vand.u32 $0x7, v3;
	v4 =	vand.u32 $0xFFFFFFE0, v38  }
0x72: {  	v3 =	vor.u32 v3, v4  }
0x73: {  	v4 =	vperm.xlane v3, v0;
	_ =	sdelay $0x1  }
0x74: {  	v4 =	vadd.s32 v1, v4;
	_ =	sdelay $0x1  }
0x75: {  	v3 =	vperm.xlane v3, v2;
	_ =	sdelay $0x1  }
0x76: {  	s13 =	simm.s32 $0xC200;
	v3 =	vadd.s32 v1, v3  }
0x77: {  	[tilespmem:s13], [sflag:$0x1] =	stream.indirect_vreg.gather [hbm4b:s4+s3], $0x80, v4, vm0, $0xb8;
	[tilespmem:$0x10200] =	vst v63  }
0x78: {  	s14 =	simm.s32 $0xCA00  }
0x79: {  	[tilespmem:s14], [sflag:$0x1] =	stream.indirect_vreg.gather [hbm4b:s6+s3], $0x80, v4, vm0, $0xb8;
	[tilespmem:$0x10200] =	vst v63  }
0x7a: {  	s16 =	simm.s32 $0xD200  }
0x7b: {  	[tilespmem:s16], [sflag:$0x1] =	stream.indirect_vreg.gather [hbm4b:s4+s3], $0x80, v3, vm0, $0xb8;
	[tilespmem:$0x10200] =	vst v63  }
0x7c: {  	s17 =	simm.s32 $0xDA00  }
0x7d: {  	[tilespmem:s17], [sflag:$0x1] =	stream.indirect_vreg.gather [hbm4b:s6+s3], $0x80, v3, vm0, $0xb8;
	[tilespmem:$0x10200] =	vst v63  }
0x7e: {  	v3 =	vld [tilespmem:$0x70];
	_ =	sdelay $0x4  }
0x7f: {  	v39 =	vshll.u32 v3, $0x2  }
0x80: {  	v3 =	vand.u32 $0x7, v3;
	v4 =	vand.u32 $0xFFFFFFE0, v39  }
0x81: {  	v3 =	vor.u32 v3, v4  }
0x82: {  	v4 =	vperm.xlane v3, v0;
	_ =	sdelay $0x1  }
0x83: {  	v4 =	vadd.s32 v1, v4;
	_ =	sdelay $0x1  }
0x84: {  	v3 =	vperm.xlane v3, v2;
	_ =	sdelay $0x1  }
0x85: {  	s18 =	simm.s32 $0xE200;
	v3 =	vadd.s32 v1, v3  }
0x86: {  	[tilespmem:s18], [sflag:$0x1] =	stream.indirect_vreg.gather [hbm4b:s4+s3], $0x80, v4, vm0, $0xb8;
	[tilespmem:$0x10200] =	vst v63  }
0x87: {  	s19 =	simm.s32 $0xEA00  }
0x88: {  	[tilespmem:s19], [sflag:$0x1] =	stream.indirect_vreg.gather [hbm4b:s6+s3], $0x80, v4, vm0, $0xb8;
	[tilespmem:$0x10200] =	vst v63  }
0x89: {  	s20 =	simm.s32 $0xF200  }
0x8a: {  	[tilespmem:s20], [sflag:$0x1] =	stream.indirect_vreg.gather [hbm4b:s4+s3], $0x80, v3, vm0, $0xb8;
	[tilespmem:$0x10200] =	vst v63  }
0x8b: {  	s21 =	simm.s32 $0xFA00  }
0x8c: {  	[tilespmem:s21], [sflag:$0x1] =	stream.indirect_vreg.gather [hbm4b:s6+s3], $0x80, v3, vm0, $0xb8;
	[tilespmem:$0x10200] =	vst v63  }
0x8d: {  	_ =	swait.ge [sflag:s7], $0x10000  }
0x8e: {  	[sflag:s7] =	ssyncset.done $0x0  }
0x8f: {  	[sflag:s7] =	ssyncadd.s32 $0xFFFF0000  }
0x90: {  	s22 =	rddreg [dreg:$0x1]  }
0x91: {  	[hbm4b:s22+s3] =	stream.linear.scatter [tilespmem:s23], [sflag:$0x1], $0x10000, $0x38;
	[tilespmem:$0x10200] =	vst v63  }
0x92: {  	_ =	swait.ge [sflag:s7], $0x10000  }
0x93: {  	[sflag:s7] =	ssyncset.done $0x0  }
0x94: {  	[sflag:s7] =	ssyncadd.s32 $0xFFFF0000  }
0x95: {  	v3 =	vld [tilespmem:$0x80];
	_ =	sdelay $0x4  }
0x96: {  	v40 =	vshll.u32 v3, $0x2  }
0x97: {  	v3 =	vand.u32 $0x7, v3;
	v4 =	vand.u32 $0xFFFFFFE0, v40  }
0x98: {  	v3 =	vor.u32 v3, v4  }
0x99: {  	v4 =	vperm.xlane v3, v0;
	_ =	sdelay $0x1  }
0x9a: {  	v4 =	vadd.s32 v1, v4;
	_ =	sdelay $0x1  }
0x9b: {  	v3 =	vperm.xlane v3, v2;
	_ =	sdelay $0x1  }
0x9c: {  	v3 =	vadd.s32 v1, v3  }
0x9d: {  	[tilespmem:s23], [sflag:$0x1] =	stream.indirect_vreg.gather [hbm4b:s4+s3], $0x80, v4, vm0, $0xb8;
	[tilespmem:$0x10200] =	vst v63  }
0x9e: {  	s1 =	simm.s32 $0xA00  }
0x9f: {  	[tilespmem:s1], [sflag:$0x1] =	stream.indirect_vreg.gather [hbm4b:s6+s3], $0x80, v4, vm0, $0xb8;
	[tilespmem:$0x10200] =	vst v63  }
0xa0: {  	s2 =	simm.s32 $0x1200  }
0xa1: {  	[tilespmem:s2], [sflag:$0x1] =	stream.indirect_vreg.gather [hbm4b:s4+s3], $0x80, v3, vm0, $0xb8;
	[tilespmem:$0x10200] =	vst v63  }
0xa2: {  	s14 =	simm.s32 $0x1A00  }
0xa3: {  	[tilespmem:s14], [sflag:$0x1] =	stream.indirect_vreg.gather [hbm4b:s6+s3], $0x80, v3, vm0, $0xb8;
	[tilespmem:$0x10200] =	vst v63  }
0xa4: {  	v3 =	vld [tilespmem:$0x90];
	_ =	sdelay $0x4  }
0xa5: {  	v41 =	vshll.u32 v3, $0x2  }
0xa6: {  	v3 =	vand.u32 $0x7, v3;
	v4 =	vand.u32 $0xFFFFFFE0, v41  }
0xa7: {  	v3 =	vor.u32 v3, v4  }
0xa8: {  	v4 =	vperm.xlane v3, v0;
	_ =	sdelay $0x1  }
0xa9: {  	v4 =	vadd.s32 v1, v4;
	_ =	sdelay $0x1  }
0xaa: {  	v3 =	vperm.xlane v3, v2;
	_ =	sdelay $0x1  }
0xab: {  	s8 =	simm.s32 $0x2200;
	v3 =	vadd.s32 v1, v3  }
0xac: {  	[tilespmem:s8], [sflag:$0x1] =	stream.indirect_vreg.gather [hbm4b:s4+s3], $0x80, v4, vm0, $0xb8;
	[tilespmem:$0x10200] =	vst v63  }
0xad: {  	s9 =	simm.s32 $0x2A00  }
0xae: {  	[tilespmem:s9], [sflag:$0x1] =	stream.indirect_vreg.gather [hbm4b:s6+s3], $0x80, v4, vm0, $0xb8;
	[tilespmem:$0x10200] =	vst v63  }
0xaf: {  	s11 =	simm.s32 $0x3200  }
0xb0: {  	[tilespmem:s11], [sflag:$0x1] =	stream.indirect_vreg.gather [hbm4b:s4+s3], $0x80, v3, vm0, $0xb8;
	[tilespmem:$0x10200] =	vst v63  }
0xb1: {  	s22 =	simm.s32 $0x3A00  }
0xb2: {  	[tilespmem:s22], [sflag:$0x1] =	stream.indirect_vreg.gather [hbm4b:s6+s3], $0x80, v3, vm0, $0xb8;
	[tilespmem:$0x10200] =	vst v63  }
0xb3: {  	v3 =	vld [tilespmem:$0xA0];
	_ =	sdelay $0x4  }
0xb4: {  	v42 =	vshll.u32 v3, $0x2  }
0xb5: {  	v3 =	vand.u32 $0x7, v3;
	v4 =	vand.u32 $0xFFFFFFE0, v42  }
0xb6: {  	v3 =	vor.u32 v3, v4  }
0xb7: {  	v4 =	vperm.xlane v3, v0;
	_ =	sdelay $0x1  }
0xb8: {  	v4 =	vadd.s32 v1, v4;
	_ =	sdelay $0x1  }
0xb9: {  	v3 =	vperm.xlane v3, v2;
	_ =	sdelay $0x1  }
0xba: {  	s12 =	simm.s32 $0x4200;
	v3 =	vadd.s32 v1, v3  }
0xbb: {  	[tilespmem:s12], [sflag:$0x1] =	stream.indirect_vreg.gather [hbm4b:s4+s3], $0x80, v4, vm0, $0xb8;
	[tilespmem:$0x10200] =	vst v63  }
0xbc: {  	s13 =	simm.s32 $0x4A00  }
0xbd: {  	[tilespmem:s13], [sflag:$0x1] =	stream.indirect_vreg.gather [hbm4b:s6+s3], $0x80, v4, vm0, $0xb8;
	[tilespmem:$0x10200] =	vst v63  }
0xbe: {  	s16 =	simm.s32 $0x5200  }
0xbf: {  	[tilespmem:s16], [sflag:$0x1] =	stream.indirect_vreg.gather [hbm4b:s4+s3], $0x80, v3, vm0, $0xb8;
	[tilespmem:$0x10200] =	vst v63  }
0xc0: {  	s17 =	simm.s32 $0x5A00  }
0xc1: {  	[tilespmem:s17], [sflag:$0x1] =	stream.indirect_vreg.gather [hbm4b:s6+s3], $0x80, v3, vm0, $0xb8;
	[tilespmem:$0x10200] =	vst v63  }
0xc2: {  	v3 =	vld [tilespmem:$0xB0];
	_ =	sdelay $0x4  }
0xc3: {  	v43 =	vshll.u32 v3, $0x2  }
0xc4: {  	v3 =	vand.u32 $0x7, v3;
	v4 =	vand.u32 $0xFFFFFFE0, v43  }
0xc5: {  	v3 =	vor.u32 v3, v4  }
0xc6: {  	v4 =	vperm.xlane v3, v0;
	_ =	sdelay $0x1  }
0xc7: {  	v4 =	vadd.s32 v1, v4;
	_ =	sdelay $0x1  }
0xc8: {  	v3 =	vperm.xlane v3, v2;
	_ =	sdelay $0x1  }
0xc9: {  	s18 =	simm.s32 $0x6200;
	v3 =	vadd.s32 v1, v3  }
0xca: {  	[tilespmem:s18], [sflag:$0x1] =	stream.indirect_vreg.gather [hbm4b:s4+s3], $0x80, v4, vm0, $0xb8;
	[tilespmem:$0x10200] =	vst v63  }
0xcb: {  	s19 =	simm.s32 $0x6A00  }
0xcc: {  	[tilespmem:s19], [sflag:$0x1] =	stream.indirect_vreg.gather [hbm4b:s6+s3], $0x80, v4, vm0, $0xb8;
	[tilespmem:$0x10200] =	vst v63  }
0xcd: {  	s20 =	simm.s32 $0x7200  }
0xce: {  	[tilespmem:s20], [sflag:$0x1] =	stream.indirect_vreg.gather [hbm4b:s4+s3], $0x80, v3, vm0, $0xb8;
	[tilespmem:$0x10200] =	vst v63  }
0xcf: {  	s21 =	simm.s32 $0x7A00  }
0xd0: {  	[tilespmem:s21], [sflag:$0x1] =	stream.indirect_vreg.gather [hbm4b:s6+s3], $0x80, v3, vm0, $0xb8;
	[tilespmem:$0x10200] =	vst v63  }
0xd1: {  	v3 =	vld [tilespmem:$0xC0];
	_ =	sdelay $0x4  }
0xd2: {  	v44 =	vshll.u32 v3, $0x2  }
0xd3: {  	v3 =	vand.u32 $0x7, v3;
	v4 =	vand.u32 $0xFFFFFFE0, v44  }
0xd4: {  	v3 =	vor.u32 v3, v4  }
0xd5: {  	v4 =	vperm.xlane v3, v0;
	_ =	sdelay $0x1  }
0xd6: {  	v4 =	vadd.s32 v1, v4;
	_ =	sdelay $0x1  }
0xd7: {  	v3 =	vperm.xlane v3, v2;
	_ =	sdelay $0x1  }
0xd8: {  	s0 =	simm.s32 $0x8200;
	v3 =	vadd.s32 v1, v3  }
0xd9: {  	[tilespmem:s0], [sflag:$0x1] =	stream.indirect_vreg.gather [hbm4b:s4+s3], $0x80, v4, vm0, $0xb8;
	[tilespmem:$0x10200] =	vst v63  }
0xda: {  	s1 =	simm.s32 $0x8A00  }
0xdb: {  	[tilespmem:s1], [sflag:$0x1] =	stream.indirect_vreg.gather [hbm4b:s6+s3], $0x80, v4, vm0, $0xb8;
	[tilespmem:$0x10200] =	vst v63  }
0xdc: {  	s2 =	simm.s32 $0x9200  }
0xdd: {  	[tilespmem:s2], [sflag:$0x1] =	stream.indirect_vreg.gather [hbm4b:s4+s3], $0x80, v3, vm0, $0xb8;
	[tilespmem:$0x10200] =	vst v63  }
0xde: {  	s10 =	simm.s32 $0x9A00  }
0xdf: {  	[tilespmem:s10], [sflag:$0x1] =	stream.indirect_vreg.gather [hbm4b:s6+s3], $0x80, v3, vm0, $0xb8;
	[tilespmem:$0x10200] =	vst v63  }
0xe0: {  	v3 =	vld [tilespmem:$0xD0];
	_ =	sdelay $0x4  }
0xe1: {  	v45 =	vshll.u32 v3, $0x2  }
0xe2: {  	v3 =	vand.u32 $0x7, v3;
	v4 =	vand.u32 $0xFFFFFFE0, v45  }
0xe3: {  	v3 =	vor.u32 v3, v4  }
0xe4: {  	v4 =	vperm.xlane v3, v0;
	_ =	sdelay $0x1  }
0xe5: {  	v4 =	vadd.s32 v1, v4;
	_ =	sdelay $0x1  }
0xe6: {  	v3 =	vperm.xlane v3, v2;
	_ =	sdelay $0x1  }
0xe7: {  	s8 =	simm.s32 $0xA200;
	v3 =	vadd.s32 v1, v3  }
0xe8: {  	[tilespmem:s8], [sflag:$0x1] =	stream.indirect_vreg.gather [hbm4b:s4+s3], $0x80, v4, vm0, $0xb8;
	[tilespmem:$0x10200] =	vst v63  }
0xe9: {  	s9 =	simm.s32 $0xAA00  }
0xea: {  	[tilespmem:s9], [sflag:$0x1] =	stream.indirect_vreg.gather [hbm4b:s6+s3], $0x80, v4, vm0, $0xb8;
	[tilespmem:$0x10200] =	vst v63  }
0xeb: {  	s10 =	simm.s32 $0xB200  }
0xec: {  	[tilespmem:s10], [sflag:$0x1] =	stream.indirect_vreg.gather [hbm4b:s4+s3], $0x80, v3, vm0, $0xb8;
	[tilespmem:$0x10200] =	vst v63  }
0xed: {  	s11 =	simm.s32 $0xBA00  }
0xee: {  	[tilespmem:s11], [sflag:$0x1] =	stream.indirect_vreg.gather [hbm4b:s6+s3], $0x80, v3, vm0, $0xb8;
	[tilespmem:$0x10200] =	vst v63  }
0xef: {  	v3 =	vld [tilespmem:$0xE0];
	_ =	sdelay $0x4  }
0xf0: {  	v46 =	vshll.u32 v3, $0x2  }
0xf1: {  	v3 =	vand.u32 $0x7, v3;
	v4 =	vand.u32 $0xFFFFFFE0, v46  }
0xf2: {  	v3 =	vor.u32 v3, v4  }
0xf3: {  	v4 =	vperm.xlane v3, v0;
	_ =	sdelay $0x1  }
0xf4: {  	v4 =	vadd.s32 v1, v4;
	_ =	sdelay $0x1  }
0xf5: {  	v3 =	vperm.xlane v3, v2;
	_ =	sdelay $0x1  }
0xf6: {  	s26 =	simm.s32 $0xC200;
	v3 =	vadd.s32 v1, v3  }
0xf7: {  	[tilespmem:s26], [sflag:$0x1] =	stream.indirect_vreg.gather [hbm4b:s4+s3], $0x80, v4, vm0, $0xb8;
	[tilespmem:$0x10200] =	vst v63  }
0xf8: {  	s28 =	simm.s32 $0xCA00  }
0xf9: {  	[tilespmem:s28], [sflag:$0x1] =	stream.indirect_vreg.gather [hbm4b:s6+s3], $0x80, v4, vm0, $0xb8;
	[tilespmem:$0x10200] =	vst v63  }
0xfa: {  	s29 =	simm.s32 $0xD200  }
0xfb: {  	[tilespmem:s29], [sflag:$0x1] =	stream.indirect_vreg.gather [hbm4b:s4+s3], $0x80, v3, vm0, $0xb8;
	[tilespmem:$0x10200] =	vst v63  }
0xfc: {  	s25 =	simm.s32 $0xDA00  }
0xfd: {  	[tilespmem:s25], [sflag:$0x1] =	stream.indirect_vreg.gather [hbm4b:s6+s3], $0x80, v3, vm0, $0xb8;
	[tilespmem:$0x10200] =	vst v63  }
0xfe: {  	v3 =	vld [tilespmem:$0xF0];
	_ =	sdelay $0x4  }
0xff: {  	v47 =	vshll.u32 v3, $0x2  }
0x100: {  	v3 =	vand.u32 $0x7, v3;
	v4 =	vand.u32 $0xFFFFFFE0, v47  }
0x101: {  	v3 =	vor.u32 v3, v4  }
0x102: {  	v4 =	vperm.xlane v3, v0;
	_ =	sdelay $0x1  }
0x103: {  	v4 =	vadd.s32 v1, v4;
	_ =	sdelay $0x1  }
0x104: {  	v3 =	vperm.xlane v3, v2;
	_ =	sdelay $0x1  }
0x105: {  	s30 =	simm.s32 $0xE200;
	v3 =	vadd.s32 v1, v3  }
0x106: {  	[tilespmem:s30], [sflag:$0x1] =	stream.indirect_vreg.gather [hbm4b:s4+s3], $0x80, v4, vm0, $0xb8;
	[tilespmem:$0x10200] =	vst v63  }
0x107: {  	s31 =	simm.s32 $0xEA00  }
0x108: {  	[tilespmem:s31], [sflag:$0x1] =	stream.indirect_vreg.gather [hbm4b:s6+s3], $0x80, v4, vm0, $0xb8;
	[tilespmem:$0x10200] =	vst v63  }
0x109: {  	s31 =	simm.s32 $0xF200  }
0x10a: {  	[tilespmem:s31], [sflag:$0x1] =	stream.indirect_vreg.gather [hbm4b:s4+s3], $0x80, v3, vm0, $0xb8;
	[tilespmem:$0x10200] =	vst v63  }
0x10b: {  	s24 =	simm.s32 $0xFA00  }
0x10c: {  	[tilespmem:s24], [sflag:$0x1] =	stream.indirect_vreg.gather [hbm4b:s6+s3], $0x80, v3, vm0, $0xb8;
	[tilespmem:$0x10200] =	vst v63  }
0x10d: {  	_ =	swait.ge [sflag:s7], $0x10000  }
0x10e: {  	[sflag:s7] =	ssyncset.done $0x0  }
0x10f: {  	s25 =	rddreg [dreg:$0x4];
	[sflag:s7] =	ssyncadd.s32 $0xFFFF0000  }
0x110: {  	[hbm4b:s25+s3] =	stream.linear.scatter [tilespmem:s23], [sflag:$0x1], $0x10000, $0x38;
	[tilespmem:$0x10200] =	vst v63  }
0x111: {  	_ =	swait.ge [sflag:s7], $0x10000  }
0x112: {  	[sflag:s7] =	ssyncset.done $0x0  }
0x113: {  	[sflag:s7] =	ssyncadd.s32 $0xFFFF0000  }
0x114: {  	v3 =	vld [tilespmem:$0x100];
	_ =	sdelay $0x4  }
0x115: {  	v48 =	vshll.u32 v3, $0x2  }
0x116: {  	v3 =	vand.u32 $0x7, v3;
	v4 =	vand.u32 $0xFFFFFFE0, v48  }
0x117: {  	v3 =	vor.u32 v3, v4  }
0x118: {  	v4 =	vperm.xlane v3, v0;
	_ =	sdelay $0x1  }
0x119: {  	v4 =	vadd.s32 v1, v4;
	_ =	sdelay $0x1  }
0x11a: {  	v3 =	vperm.xlane v3, v2;
	_ =	sdelay $0x1  }
0x11b: {  	v3 =	vadd.s32 v1, v3  }
0x11c: {  	[tilespmem:s23], [sflag:$0x1] =	stream.indirect_vreg.gather [hbm4b:s4+s3], $0x80, v4, vm0, $0xb8;
	[tilespmem:$0x10200] =	vst v63  }
0x11d: {  	s29 =	simm.s32 $0xA00  }
0x11e: {  	[tilespmem:s29], [sflag:$0x1] =	stream.indirect_vreg.gather [hbm4b:s6+s3], $0x80, v4, vm0, $0xb8;
	[tilespmem:$0x10200] =	vst v63  }
0x11f: {  	s31 =	simm.s32 $0x1200  }
0x120: {  	[tilespmem:s31], [sflag:$0x1] =	stream.indirect_vreg.gather [hbm4b:s4+s3], $0x80, v3, vm0, $0xb8;
	[tilespmem:$0x10200] =	vst v63  }
0x121: {  	_ = 	snop  }
0x122: {  	[tilespmem:s14], [sflag:$0x1] =	stream.indirect_vreg.gather [hbm4b:s6+s3], $0x80, v3, vm0, $0xb8;
	[tilespmem:$0x10200] =	vst v63  }
0x123: {  	v3 =	vld [tilespmem:$0x110];
	_ =	sdelay $0x4  }
0x124: {  	v49 =	vshll.u32 v3, $0x2  }
0x125: {  	v3 =	vand.u32 $0x7, v3;
	v4 =	vand.u32 $0xFFFFFFE0, v49  }
0x126: {  	v3 =	vor.u32 v3, v4  }
0x127: {  	v4 =	vperm.xlane v3, v0;
	_ =	sdelay $0x1  }
0x128: {  	v4 =	vadd.s32 v1, v4;
	_ =	sdelay $0x1  }
0x129: {  	v3 =	vperm.xlane v3, v2;
	_ =	sdelay $0x1  }
0x12a: {  	s24 =	simm.s32 $0x2200;
	v3 =	vadd.s32 v1, v3  }
0x12b: {  	[tilespmem:s24], [sflag:$0x1] =	stream.indirect_vreg.gather [hbm4b:s4+s3], $0x80, v4, vm0, $0xb8;
	[tilespmem:$0x10200] =	vst v63  }
0x12c: {  	s31 =	simm.s32 $0x2A00  }
0x12d: {  	[tilespmem:s31], [sflag:$0x1] =	stream.indirect_vreg.gather [hbm4b:s6+s3], $0x80, v4, vm0, $0xb8;
	[tilespmem:$0x10200] =	vst v63  }
0x12e: {  	s15 =	simm.s32 $0x3200  }
0x12f: {  	[tilespmem:s15], [sflag:$0x1] =	stream.indirect_vreg.gather [hbm4b:s4+s3], $0x80, v3, vm0, $0xb8;
	[tilespmem:$0x10200] =	vst v63  }
0x130: {  	_ = 	snop  }
0x131: {  	[tilespmem:s22], [sflag:$0x1] =	stream.indirect_vreg.gather [hbm4b:s6+s3], $0x80, v3, vm0, $0xb8;
	[tilespmem:$0x10200] =	vst v63  }
0x132: {  	v3 =	vld [tilespmem:$0x120];
	_ =	sdelay $0x4  }
0x133: {  	v50 =	vshll.u32 v3, $0x2  }
0x134: {  	v3 =	vand.u32 $0x7, v3;
	v4 =	vand.u32 $0xFFFFFFE0, v50  }
0x135: {  	v3 =	vor.u32 v3, v4  }
0x136: {  	v4 =	vperm.xlane v3, v0;
	_ =	sdelay $0x1  }
0x137: {  	v4 =	vadd.s32 v1, v4;
	_ =	sdelay $0x1  }
0x138: {  	v3 =	vperm.xlane v3, v2;
	_ =	sdelay $0x1  }
0x139: {  	v3 =	vadd.s32 v1, v3  }
0x13a: {  	[tilespmem:s12], [sflag:$0x1] =	stream.indirect_vreg.gather [hbm4b:s4+s3], $0x80, v4, vm0, $0xb8;
	[tilespmem:$0x10200] =	vst v63  }
0x13b: {  	_ = 	snop  }
0x13c: {  	[tilespmem:s13], [sflag:$0x1] =	stream.indirect_vreg.gather [hbm4b:s6+s3], $0x80, v4, vm0, $0xb8;
	[tilespmem:$0x10200] =	vst v63  }
0x13d: {  	_ = 	snop  }
0x13e: {  	[tilespmem:s16], [sflag:$0x1] =	stream.indirect_vreg.gather [hbm4b:s4+s3], $0x80, v3, vm0, $0xb8;
	[tilespmem:$0x10200] =	vst v63  }
0x13f: {  	_ = 	snop  }
0x140: {  	[tilespmem:s17], [sflag:$0x1] =	stream.indirect_vreg.gather [hbm4b:s6+s3], $0x80, v3, vm0, $0xb8;
	[tilespmem:$0x10200] =	vst v63  }
0x141: {  	v3 =	vld [tilespmem:$0x130];
	_ =	sdelay $0x4  }
0x142: {  	v51 =	vshll.u32 v3, $0x2  }
0x143: {  	v3 =	vand.u32 $0x7, v3;
	v4 =	vand.u32 $0xFFFFFFE0, v51  }
0x144: {  	v3 =	vor.u32 v3, v4  }
0x145: {  	v4 =	vperm.xlane v3, v0;
	_ =	sdelay $0x1  }
0x146: {  	v4 =	vadd.s32 v1, v4;
	_ =	sdelay $0x1  }
0x147: {  	v3 =	vperm.xlane v3, v2;
	_ =	sdelay $0x1  }
0x148: {  	v3 =	vadd.s32 v1, v3  }
0x149: {  	[tilespmem:s18], [sflag:$0x1] =	stream.indirect_vreg.gather [hbm4b:s4+s3], $0x80, v4, vm0, $0xb8;
	[tilespmem:$0x10200] =	vst v63  }
0x14a: {  	_ = 	snop  }
0x14b: {  	[tilespmem:s19], [sflag:$0x1] =	stream.indirect_vreg.gather [hbm4b:s6+s3], $0x80, v4, vm0, $0xb8;
	[tilespmem:$0x10200] =	vst v63  }
0x14c: {  	_ = 	snop  }
0x14d: {  	[tilespmem:s20], [sflag:$0x1] =	stream.indirect_vreg.gather [hbm4b:s4+s3], $0x80, v3, vm0, $0xb8;
	[tilespmem:$0x10200] =	vst v63  }
0x14e: {  	_ = 	snop  }
0x14f: {  	[tilespmem:s21], [sflag:$0x1] =	stream.indirect_vreg.gather [hbm4b:s6+s3], $0x80, v3, vm0, $0xb8;
	[tilespmem:$0x10200] =	vst v63  }
0x150: {  	v3 =	vld [tilespmem:$0x140];
	_ =	sdelay $0x4  }
0x151: {  	v52 =	vshll.u32 v3, $0x2  }
0x152: {  	v3 =	vand.u32 $0x7, v3;
	v4 =	vand.u32 $0xFFFFFFE0, v52  }
0x153: {  	v3 =	vor.u32 v3, v4  }
0x154: {  	v4 =	vperm.xlane v3, v0;
	_ =	sdelay $0x1  }
0x155: {  	v4 =	vadd.s32 v1, v4;
	_ =	sdelay $0x1  }
0x156: {  	v3 =	vperm.xlane v3, v2;
	_ =	sdelay $0x1  }
0x157: {  	v3 =	vadd.s32 v1, v3  }
0x158: {  	[tilespmem:s0], [sflag:$0x1] =	stream.indirect_vreg.gather [hbm4b:s4+s3], $0x80, v4, vm0, $0xb8;
	[tilespmem:$0x10200] =	vst v63  }
0x159: {  	_ = 	snop  }
0x15a: {  	[tilespmem:s1], [sflag:$0x1] =	stream.indirect_vreg.gather [hbm4b:s6+s3], $0x80, v4, vm0, $0xb8;
	[tilespmem:$0x10200] =	vst v63  }
0x15b: {  	_ = 	snop  }
0x15c: {  	[tilespmem:s2], [sflag:$0x1] =	stream.indirect_vreg.gather [hbm4b:s4+s3], $0x80, v3, vm0, $0xb8;
	[tilespmem:$0x10200] =	vst v63  }
0x15d: {  	s22 =	simm.s32 $0x9A00  }
0x15e: {  	[tilespmem:s22], [sflag:$0x1] =	stream.indirect_vreg.gather [hbm4b:s6+s3], $0x80, v3, vm0, $0xb8;
	[tilespmem:$0x10200] =	vst v63  }
0x15f: {  	v3 =	vld [tilespmem:$0x150];
	_ =	sdelay $0x4  }
0x160: {  	v53 =	vshll.u32 v3, $0x2  }
0x161: {  	v3 =	vand.u32 $0x7, v3;
	v4 =	vand.u32 $0xFFFFFFE0, v53  }
0x162: {  	v3 =	vor.u32 v3, v4  }
0x163: {  	v4 =	vperm.xlane v3, v0;
	_ =	sdelay $0x1  }
0x164: {  	v4 =	vadd.s32 v1, v4;
	_ =	sdelay $0x1  }
0x165: {  	v3 =	vperm.xlane v3, v2;
	_ =	sdelay $0x1  }
0x166: {  	v3 =	vadd.s32 v1, v3  }
0x167: {  	[tilespmem:s8], [sflag:$0x1] =	stream.indirect_vreg.gather [hbm4b:s4+s3], $0x80, v4, vm0, $0xb8;
	[tilespmem:$0x10200] =	vst v63  }
0x168: {  	_ = 	snop  }
0x169: {  	[tilespmem:s9], [sflag:$0x1] =	stream.indirect_vreg.gather [hbm4b:s6+s3], $0x80, v4, vm0, $0xb8;
	[tilespmem:$0x10200] =	vst v63  }
0x16a: {  	_ = 	snop  }
0x16b: {  	[tilespmem:s10], [sflag:$0x1] =	stream.indirect_vreg.gather [hbm4b:s4+s3], $0x80, v3, vm0, $0xb8;
	[tilespmem:$0x10200] =	vst v63  }
0x16c: {  	_ = 	snop  }
0x16d: {  	[tilespmem:s11], [sflag:$0x1] =	stream.indirect_vreg.gather [hbm4b:s6+s3], $0x80, v3, vm0, $0xb8;
	[tilespmem:$0x10200] =	vst v63  }
0x16e: {  	v3 =	vld [tilespmem:$0x160];
	_ =	sdelay $0x4  }
0x16f: {  	v54 =	vshll.u32 v3, $0x2  }
0x170: {  	v3 =	vand.u32 $0x7, v3;
	v4 =	vand.u32 $0xFFFFFFE0, v54  }
0x171: {  	v3 =	vor.u32 v3, v4  }
0x172: {  	v4 =	vperm.xlane v3, v0;
	_ =	sdelay $0x1  }
0x173: {  	v4 =	vadd.s32 v1, v4;
	_ =	sdelay $0x1  }
0x174: {  	v3 =	vperm.xlane v3, v2;
	_ =	sdelay $0x1  }
0x175: {  	s24 =	simm.s32 $0xC200;
	v3 =	vadd.s32 v1, v3  }
0x176: {  	[tilespmem:s24], [sflag:$0x1] =	stream.indirect_vreg.gather [hbm4b:s4+s3], $0x80, v4, vm0, $0xb8;
	[tilespmem:$0x10200] =	vst v63  }
0x177: {  	s26 =	simm.s32 $0xCA00  }
0x178: {  	[tilespmem:s26], [sflag:$0x1] =	stream.indirect_vreg.gather [hbm4b:s6+s3], $0x80, v4, vm0, $0xb8;
	[tilespmem:$0x10200] =	vst v63  }
0x179: {  	s28 =	simm.s32 $0xD200  }
0x17a: {  	[tilespmem:s28], [sflag:$0x1] =	stream.indirect_vreg.gather [hbm4b:s4+s3], $0x80, v3, vm0, $0xb8;
	[tilespmem:$0x10200] =	vst v63  }
0x17b: {  	s28 =	simm.s32 $0xDA00  }
0x17c: {  	[tilespmem:s28], [sflag:$0x1] =	stream.indirect_vreg.gather [hbm4b:s6+s3], $0x80, v3, vm0, $0xb8;
	[tilespmem:$0x10200] =	vst v63  }
0x17d: {  	v3 =	vld [tilespmem:$0x170];
	_ =	sdelay $0x4  }
0x17e: {  	v55 =	vshll.u32 v3, $0x2  }
0x17f: {  	v3 =	vand.u32 $0x7, v3;
	v4 =	vand.u32 $0xFFFFFFE0, v55  }
0x180: {  	v3 =	vor.u32 v3, v4  }
0x181: {  	v4 =	vperm.xlane v3, v0;
	_ =	sdelay $0x1  }
0x182: {  	v4 =	vadd.s32 v1, v4;
	_ =	sdelay $0x1  }
0x183: {  	v3 =	vperm.xlane v3, v2;
	_ =	sdelay $0x1  }
0x184: {  	s31 =	simm.s32 $0xE200;
	v3 =	vadd.s32 v1, v3  }
0x185: {  	[tilespmem:s31], [sflag:$0x1] =	stream.indirect_vreg.gather [hbm4b:s4+s3], $0x80, v4, vm0, $0xb8;
	[tilespmem:$0x10200] =	vst v63  }
0x186: {  	s28 =	simm.s32 $0xEA00  }
0x187: {  	[tilespmem:s28], [sflag:$0x1] =	stream.indirect_vreg.gather [hbm4b:s6+s3], $0x80, v4, vm0, $0xb8;
	[tilespmem:$0x10200] =	vst v63  }
0x188: {  	s30 =	simm.s32 $0xF200  }
0x189: {  	[tilespmem:s30], [sflag:$0x1] =	stream.indirect_vreg.gather [hbm4b:s4+s3], $0x80, v3, vm0, $0xb8;
	[tilespmem:$0x10200] =	vst v63  }
0x18a: {  	s30 =	simm.s32 $0xFA00  }
0x18b: {  	[tilespmem:s30], [sflag:$0x1] =	stream.indirect_vreg.gather [hbm4b:s6+s3], $0x80, v3, vm0, $0xb8;
	[tilespmem:$0x10200] =	vst v63  }
0x18c: {  	_ =	swait.ge [sflag:s7], $0x10000  }
0x18d: {  	[sflag:s7] =	ssyncset.done $0x0  }
0x18e: {  	s15 =	rddreg [dreg:$0x5];
	[sflag:s7] =	ssyncadd.s32 $0xFFFF0000  }
0x18f: {  	[hbm4b:s15+s3] =	stream.linear.scatter [tilespmem:s23], [sflag:$0x1], $0x10000, $0x38;
	[tilespmem:$0x10200] =	vst v63  }
0x190: {  	_ =	swait.ge [sflag:s7], $0x10000  }
0x191: {  	[sflag:s7] =	ssyncset.done $0x0  }
0x192: {  	[sflag:s7] =	ssyncadd.s32 $0xFFFF0000  }
0x193: {  	v3 =	vld [tilespmem:$0x180];
	_ =	sdelay $0x4  }
0x194: {  	v56 =	vshll.u32 v3, $0x2  }
0x195: {  	v3 =	vand.u32 $0x7, v3;
	v4 =	vand.u32 $0xFFFFFFE0, v56  }
0x196: {  	v3 =	vor.u32 v3, v4  }
0x197: {  	v4 =	vperm.xlane v3, v0;
	_ =	sdelay $0x1  }
0x198: {  	v4 =	vadd.s32 v1, v4;
	_ =	sdelay $0x1  }
0x199: {  	v3 =	vperm.xlane v3, v2;
	_ =	sdelay $0x1  }
0x19a: {  	v3 =	vadd.s32 v1, v3  }
0x19b: {  	[tilespmem:s23], [sflag:$0x1] =	stream.indirect_vreg.gather [hbm4b:s4+s3], $0x80, v4, vm0, $0xb8;
	[tilespmem:$0x10200] =	vst v63  }
0x19c: {  	s29 =	simm.s32 $0xA00  }
0x19d: {  	[tilespmem:s29], [sflag:$0x1] =	stream.indirect_vreg.gather [hbm4b:s6+s3], $0x80, v4, vm0, $0xb8;
	[tilespmem:$0x10200] =	vst v63  }
0x19e: {  	s29 =	simm.s32 $0x1200  }
0x19f: {  	[tilespmem:s29], [sflag:$0x1] =	stream.indirect_vreg.gather [hbm4b:s4+s3], $0x80, v3, vm0, $0xb8;
	[tilespmem:$0x10200] =	vst v63  }
0x1a0: {  	s25 =	simm.s32 $0x1A00  }
0x1a1: {  	[tilespmem:s25], [sflag:$0x1] =	stream.indirect_vreg.gather [hbm4b:s6+s3], $0x80, v3, vm0, $0xb8;
	[tilespmem:$0x10200] =	vst v63  }
0x1a2: {  	v3 =	vld [tilespmem:$0x190];
	_ =	sdelay $0x4  }
0x1a3: {  	v57 =	vshll.u32 v3, $0x2  }
0x1a4: {  	v3 =	vand.u32 $0x7, v3;
	v4 =	vand.u32 $0xFFFFFFE0, v57  }
0x1a5: {  	v3 =	vor.u32 v3, v4  }
0x1a6: {  	v4 =	vperm.xlane v3, v0;
	_ =	sdelay $0x1  }
0x1a7: {  	v4 =	vadd.s32 v1, v4;
	_ =	sdelay $0x1  }
0x1a8: {  	v3 =	vperm.xlane v3, v2;
	_ =	sdelay $0x1  }
0x1a9: {  	s29 =	simm.s32 $0x2200;
	v3 =	vadd.s32 v1, v3  }
0x1aa: {  	[tilespmem:s29], [sflag:$0x1] =	stream.indirect_vreg.gather [hbm4b:s4+s3], $0x80, v4, vm0, $0xb8;
	[tilespmem:$0x10200] =	vst v63  }
0x1ab: {  	s25 =	simm.s32 $0x2A00  }
0x1ac: {  	[tilespmem:s25], [sflag:$0x1] =	stream.indirect_vreg.gather [hbm4b:s6+s3], $0x80, v4, vm0, $0xb8;
	[tilespmem:$0x10200] =	vst v63  }
0x1ad: {  	s29 =	simm.s32 $0x3200  }
0x1ae: {  	[tilespmem:s29], [sflag:$0x1] =	stream.indirect_vreg.gather [hbm4b:s4+s3], $0x80, v3, vm0, $0xb8;
	[tilespmem:$0x10200] =	vst v63  }
0x1af: {  	s14 =	simm.s32 $0x3A00  }
0x1b0: {  	[tilespmem:s14], [sflag:$0x1] =	stream.indirect_vreg.gather [hbm4b:s6+s3], $0x80, v3, vm0, $0xb8;
	[tilespmem:$0x10200] =	vst v63  }
0x1b1: {  	v3 =	vld [tilespmem:$0x1A0];
	_ =	sdelay $0x4  }
0x1b2: {  	v58 =	vshll.u32 v3, $0x2  }
0x1b3: {  	v3 =	vand.u32 $0x7, v3;
	v4 =	vand.u32 $0xFFFFFFE0, v58  }
0x1b4: {  	v3 =	vor.u32 v3, v4  }
0x1b5: {  	v4 =	vperm.xlane v3, v0;
	_ =	sdelay $0x1  }
0x1b6: {  	v4 =	vadd.s32 v1, v4;
	_ =	sdelay $0x1  }
0x1b7: {  	v3 =	vperm.xlane v3, v2;
	_ =	sdelay $0x1  }
0x1b8: {  	s12 =	simm.s32 $0x4200;
	v3 =	vadd.s32 v1, v3  }
0x1b9: {  	[tilespmem:s12], [sflag:$0x1] =	stream.indirect_vreg.gather [hbm4b:s4+s3], $0x80, v4, vm0, $0xb8;
	[tilespmem:$0x10200] =	vst v63  }
0x1ba: {  	s13 =	simm.s32 $0x4A00  }
0x1bb: {  	[tilespmem:s13], [sflag:$0x1] =	stream.indirect_vreg.gather [hbm4b:s6+s3], $0x80, v4, vm0, $0xb8;
	[tilespmem:$0x10200] =	vst v63  }
0x1bc: {  	s16 =	simm.s32 $0x5200  }
0x1bd: {  	[tilespmem:s16], [sflag:$0x1] =	stream.indirect_vreg.gather [hbm4b:s4+s3], $0x80, v3, vm0, $0xb8;
	[tilespmem:$0x10200] =	vst v63  }
0x1be: {  	s17 =	simm.s32 $0x5A00  }
0x1bf: {  	[tilespmem:s17], [sflag:$0x1] =	stream.indirect_vreg.gather [hbm4b:s6+s3], $0x80, v3, vm0, $0xb8;
	[tilespmem:$0x10200] =	vst v63  }
0x1c0: {  	v3 =	vld [tilespmem:$0x1B0];
	_ =	sdelay $0x4  }
0x1c1: {  	v59 =	vshll.u32 v3, $0x2  }
0x1c2: {  	v3 =	vand.u32 $0x7, v3;
	v4 =	vand.u32 $0xFFFFFFE0, v59  }
0x1c3: {  	v3 =	vor.u32 v3, v4  }
0x1c4: {  	v4 =	vperm.xlane v3, v0;
	_ =	sdelay $0x1  }
0x1c5: {  	v4 =	vadd.s32 v1, v4;
	_ =	sdelay $0x1  }
0x1c6: {  	v3 =	vperm.xlane v3, v2;
	_ =	sdelay $0x1  }
0x1c7: {  	s18 =	simm.s32 $0x6200;
	v3 =	vadd.s32 v1, v3  }
0x1c8: {  	[tilespmem:s18], [sflag:$0x1] =	stream.indirect_vreg.gather [hbm4b:s4+s3], $0x80, v4, vm0, $0xb8;
	[tilespmem:$0x10200] =	vst v63  }
0x1c9: {  	s19 =	simm.s32 $0x6A00  }
0x1ca: {  	[tilespmem:s19], [sflag:$0x1] =	stream.indirect_vreg.gather [hbm4b:s6+s3], $0x80, v4, vm0, $0xb8;
	[tilespmem:$0x10200] =	vst v63  }
0x1cb: {  	s20 =	simm.s32 $0x7200  }
0x1cc: {  	[tilespmem:s20], [sflag:$0x1] =	stream.indirect_vreg.gather [hbm4b:s4+s3], $0x80, v3, vm0, $0xb8;
	[tilespmem:$0x10200] =	vst v63  }
0x1cd: {  	s21 =	simm.s32 $0x7A00  }
0x1ce: {  	[tilespmem:s21], [sflag:$0x1] =	stream.indirect_vreg.gather [hbm4b:s6+s3], $0x80, v3, vm0, $0xb8;
	[tilespmem:$0x10200] =	vst v63  }
0x1cf: {  	v3 =	vld [tilespmem:$0x1C0];
	_ =	sdelay $0x4  }
0x1d0: {  	v60 =	vshll.u32 v3, $0x2  }
0x1d1: {  	v3 =	vand.u32 $0x7, v3;
	v4 =	vand.u32 $0xFFFFFFE0, v60  }
0x1d2: {  	v3 =	vor.u32 v3, v4  }
0x1d3: {  	v4 =	vperm.xlane v3, v0;
	_ =	sdelay $0x1  }
0x1d4: {  	v4 =	vadd.s32 v1, v4;
	_ =	sdelay $0x1  }
0x1d5: {  	v3 =	vperm.xlane v3, v2;
	_ =	sdelay $0x1  }
0x1d6: {  	s0 =	simm.s32 $0x8200;
	v3 =	vadd.s32 v1, v3  }
0x1d7: {  	[tilespmem:s0], [sflag:$0x1] =	stream.indirect_vreg.gather [hbm4b:s4+s3], $0x80, v4, vm0, $0xb8;
	[tilespmem:$0x10200] =	vst v63  }
0x1d8: {  	s1 =	simm.s32 $0x8A00  }
0x1d9: {  	[tilespmem:s1], [sflag:$0x1] =	stream.indirect_vreg.gather [hbm4b:s6+s3], $0x80, v4, vm0, $0xb8;
	[tilespmem:$0x10200] =	vst v63  }
0x1da: {  	s2 =	simm.s32 $0x9200  }
0x1db: {  	[tilespmem:s2], [sflag:$0x1] =	stream.indirect_vreg.gather [hbm4b:s4+s3], $0x80, v3, vm0, $0xb8;
	[tilespmem:$0x10200] =	vst v63  }
0x1dc: {  	s25 =	simm.s32 $0x9A00  }
0x1dd: {  	[tilespmem:s25], [sflag:$0x1] =	stream.indirect_vreg.gather [hbm4b:s6+s3], $0x80, v3, vm0, $0xb8;
	[tilespmem:$0x10200] =	vst v63  }
0x1de: {  	v3 =	vld [tilespmem:$0x1D0];
	_ =	sdelay $0x4  }
0x1df: {  	v61 =	vshll.u32 v3, $0x2  }
0x1e0: {  	v3 =	vand.u32 $0x7, v3;
	v4 =	vand.u32 $0xFFFFFFE0, v61  }
0x1e1: {  	v3 =	vor.u32 v3, v4  }
0x1e2: {  	v4 =	vperm.xlane v3, v0;
	_ =	sdelay $0x1  }
0x1e3: {  	v4 =	vadd.s32 v1, v4;
	_ =	sdelay $0x1  }
0x1e4: {  	v3 =	vperm.xlane v3, v2;
	_ =	sdelay $0x1  }
0x1e5: {  	s8 =	simm.s32 $0xA200;
	v3 =	vadd.s32 v1, v3  }
0x1e6: {  	[tilespmem:s8], [sflag:$0x1] =	stream.indirect_vreg.gather [hbm4b:s4+s3], $0x80, v4, vm0, $0xb8;
	[tilespmem:$0x10200] =	vst v63  }
0x1e7: {  	s9 =	simm.s32 $0xAA00  }
0x1e8: {  	[tilespmem:s9], [sflag:$0x1] =	stream.indirect_vreg.gather [hbm4b:s6+s3], $0x80, v4, vm0, $0xb8;
	[tilespmem:$0x10200] =	vst v63  }
0x1e9: {  	s10 =	simm.s32 $0xB200  }
0x1ea: {  	[tilespmem:s10], [sflag:$0x1] =	stream.indirect_vreg.gather [hbm4b:s4+s3], $0x80, v3, vm0, $0xb8;
	[tilespmem:$0x10200] =	vst v63  }
0x1eb: {  	s11 =	simm.s32 $0xBA00  }
0x1ec: {  	[tilespmem:s11], [sflag:$0x1] =	stream.indirect_vreg.gather [hbm4b:s6+s3], $0x80, v3, vm0, $0xb8;
	[tilespmem:$0x10200] =	vst v63  }
0x1ed: {  	v3 =	vld [tilespmem:$0x1E0];
	_ =	sdelay $0x4  }
0x1ee: {  	v62 =	vshll.u32 v3, $0x2  }
0x1ef: {  	v3 =	vand.u32 $0x7, v3;
	v4 =	vand.u32 $0xFFFFFFE0, v62  }
0x1f0: {  	v3 =	vor.u32 v3, v4  }
0x1f1: {  	v4 =	vperm.xlane v3, v0;
	_ =	sdelay $0x1  }
0x1f2: {  	v4 =	vadd.s32 v1, v4;
	_ =	sdelay $0x1  }
0x1f3: {  	v3 =	vperm.xlane v3, v2;
	_ =	sdelay $0x1  }
0x1f4: {  	s24 =	simm.s32 $0xC200;
	v3 =	vadd.s32 v1, v3  }
0x1f5: {  	[tilespmem:s24], [sflag:$0x1] =	stream.indirect_vreg.gather [hbm4b:s4+s3], $0x80, v4, vm0, $0xb8;
	[tilespmem:$0x10200] =	vst v63  }
0x1f6: {  	s22 =	simm.s32 $0xCA00  }
0x1f7: {  	[tilespmem:s22], [sflag:$0x1] =	stream.indirect_vreg.gather [hbm4b:s6+s3], $0x80, v4, vm0, $0xb8;
	[tilespmem:$0x10200] =	vst v63  }
0x1f8: {  	s26 =	simm.s32 $0xD200  }
0x1f9: {  	[tilespmem:s26], [sflag:$0x1] =	stream.indirect_vreg.gather [hbm4b:s4+s3], $0x80, v3, vm0, $0xb8;
	[tilespmem:$0x10200] =	vst v63  }
0x1fa: {  	s26 =	simm.s32 $0xDA00  }
0x1fb: {  	[tilespmem:s26], [sflag:$0x1] =	stream.indirect_vreg.gather [hbm4b:s6+s3], $0x80, v3, vm0, $0xb8;
	[tilespmem:$0x10200] =	vst v63  }
0x1fc: {  	v3 =	vld [tilespmem:$0x1F0];
	_ =	sdelay $0x4  }
0x1fd: {  	v63 =	vshll.u32 v3, $0x2  }
0x1fe: {  	v3 =	vand.u32 $0x7, v3;
	v4 =	vand.u32 $0xFFFFFFE0, v63  }
0x1ff: {  	v3 =	vor.u32 v3, v4  }
0x200: {  	v4 =	vperm.xlane v3, v0;
	_ =	sdelay $0x1  }
0x201: {  	v4 =	vadd.s32 v1, v4;
	_ =	sdelay $0x1  }
0x202: {  	v3 =	vperm.xlane v3, v2;
	_ =	sdelay $0x1  }
0x203: {  	s31 =	simm.s32 $0xE200;
	v3 =	vadd.s32 v1, v3  }
0x204: {  	[tilespmem:s31], [sflag:$0x1] =	stream.indirect_vreg.gather [hbm4b:s4+s3], $0x80, v4, vm0, $0xb8;
	[tilespmem:$0x10200] =	vst v63  }
0x205: {  	s29 =	simm.s32 $0xEA00  }
0x206: {  	[tilespmem:s29], [sflag:$0x1] =	stream.indirect_vreg.gather [hbm4b:s6+s3], $0x80, v4, vm0, $0xb8;
	[tilespmem:$0x10200] =	vst v63  }
0x207: {  	s28 =	simm.s32 $0xF200  }
0x208: {  	[tilespmem:s28], [sflag:$0x1] =	stream.indirect_vreg.gather [hbm4b:s4+s3], $0x80, v3, vm0, $0xb8;
	[tilespmem:$0x10200] =	vst v63  }
0x209: {  	s30 =	simm.s32 $0xFA00  }
0x20a: {  	[tilespmem:s30], [sflag:$0x1] =	stream.indirect_vreg.gather [hbm4b:s6+s3], $0x80, v3, vm0, $0xb8;
	[tilespmem:$0x10200] =	vst v63  }
0x20b: {  	_ =	swait.ge [sflag:s7], $0x10000  }
0x20c: {  	p0 =	sne.s32 s5, $0x1;
	[sflag:s7] =	ssyncset.done $0x0  }
.Ltmp1:
0x20d: {  	s31 =	rddreg [dreg:$0x6];
	[sflag:s7] =	ssyncadd.s32 $0xFFFF0000;
	(pc) =	sbr.rel @p0 .LBB2_2-.Ltmp1, $4  }
0x20e: {  	[hbm4b:s31+s3] =	stream.linear.scatter [tilespmem:s23], [sflag:$0x1], $0x10000, $0x38;
	[tilespmem:$0x10200] =	vst v63  }
0x20f: {  	_ =	swait.ge [sflag:s7], $0x10000  }
0x210: {  	[sflag:s7] =	ssyncset.done $0x0  }
0x211: {  	s5 =	sadd.s32 $0xFFFFFFFF, s5;
	[sflag:s7] =	ssyncadd.s32 $0xFFFF0000  }
.LBB2_3:
0x212: {  	_ =	sfence.sel $0x180000  }
0x213: {  	[bflag:$0x0] =	sbarrier.arrive $0xFFFF  }
0x214: {  	_ =	strace $0x90000047  }
0x215: {  	s0 =	stileid.u32;
	[bflag:$0x2] =	sbarrier.arrive $0xFFFF  }
0x216: {  	p0 =	sne.s32 s0, $0x0;
	s0 =	rddreg [dreg:$0x2]  }
0x217: {  	s0 =	sadd.s32 @!p0 $0x100000, s0  }
0x218: {  	[sflag:s0] =	ssyncadd.tile.s32 @!p0 $0x1;
	_ =	shalt  }
.Lfunc_end2:
_tile_overlayer_lowered:
.L_overlay_start_2:
0x219: {  	(tag) =	ssettag $0x2  }
0x21a: {  	s0 =	rddreg [dreg:$0x0];
	s2 =	stileid.u32  }
0x21b: {  	s1 =	rddreg [dreg:$0x1];
	p0 =	sne.s32 s2, $0x0  }
0x21c: {  	s3 =	rddreg [dreg:$0x2];
	[bflag:$0x3] =	sbarrier.arrive $0xFFFF;
	s2 =	simm.s32 @!p0 $0x1C01  }
0x21d: {  	[timem:s3], [sflag:s2] =	dma.local @!p0 [hbm:s0], s1  }
0x21e: {  	s0 =	simm.s32 @!p0 $0x1  }
0x21f: {  	_ =	swait.ge @!p0 [sflag:s0], s1  }
0x220: {  	s1 =	ssub.s32 @!p0 $0x0, s1;
	[sflag:s0] =	ssyncset.done @!p0 $0x0  }
0x221: {  	[sflag:s0] =	ssyncadd.s32 @!p0 s1  }
0x222: {  	[bflag:$0x3] =	sbarrier.arrive $0xFFFF  }
0x223: {  	_ =	shalt  }

</sc_bundles>
